<compile_context>
chip_gen: v7x
topology: tpu7x:2x2x1
jax: 0.10.2.dev20260603
libtpu: 0.0.44.dev20260713+nightly
codegen_flags: <defaults>
</compile_context>

<pallas_src>
import jax
import jax.numpy as jnp
from jax import lax
from jax.experimental import pallas as pl
from jax.experimental.pallas import tpu as pltpu
from jax.experimental.pallas import tpu_sc as plsc

N = 50000
E = 800000
DIM = 32
QD = 8
NQ = 8
PPC = 4
NC = 2
NS = 16
CHUNK = 128
GRP = 2
CPT = 392
NG = CPT // GRP
EPT = CPT * CHUNK
EPAD = NS * EPT
RPT = 3200
NPAD = NS * RPT
IL = 16
NR = NPAD // IL
RB = 64
GB = NR // RB
NVAL = N // IL


def _embed_body(vrep_ref, kb_ref, out_ref):
    iotd = (lax.broadcasted_iota(jnp.int32, (RB, 2 * 512), 1) & 63
            ).astype(jnp.bfloat16)
    oh = (vrep_ref[0] == iotd).astype(jnp.float32)
    out_ref[0] = jnp.dot(oh, kb_ref[0], preferred_element_type=jnp.float32)


def _embed(vrep2, kbig2):
    return pl.pallas_call(
        _embed_body,
        grid=(2, GB),
        in_specs=[
            pl.BlockSpec((1, RB, 1024), lambda t, j: (t, j, 0)),
            pl.BlockSpec((1, 1024, 512), lambda t, j: (t, 0, 0)),
        ],
        out_specs=pl.BlockSpec((1, RB, 512), lambda t, j: (t, j, 0)),
        out_shape=jax.ShapeDtypeStruct((2, NR, 512), jnp.float32),
    )(vrep2, kbig2)


def _sc_body(src_hbm, dst_hbm, tmp_hbm, zer_hbm, agg_hbm,
             src_v, dst_v, rows_a, rows_b, agg_sh,
             sem_ga, sem_gb, sem_sa, sem_sb):
    c = lax.axis_index("c")
    s = lax.axis_index("s")
    GC = GRP * CHUNK

    pltpu.sync_copy(dst_hbm.at[s], dst_v)
    pltpu.sync_copy(src_hbm.at[s], src_v)

    for j in range(PPC):
        q = PPC * c + j
        pltpu.sync_copy(zer_hbm, agg_sh.at[pl.ds(s * RPT, RPT)])
        plsc.subcore_barrier()

        tmp_q = tmp_hbm.at[pl.ds(c * (NR * 64) + IL * j, NR * 64)]
        pltpu.async_copy(tmp_q.at[src_v.at[pl.ds(0, GC)]], rows_a, sem_ga)
        pltpu.async_copy(tmp_q.at[src_v.at[pl.ds(GC, GC)]], rows_b, sem_gb)

        def body(i, carry):
            g0 = 2 * i
            g1 = 2 * i + 1
            sa = src_v.at[pl.ds(g0 * GC, GC)]
            sb = src_v.at[pl.ds(g1 * GC, GC)]
            da = dst_v.at[pl.ds(g0 * GC, GC)]
            db = dst_v.at[pl.ds(g1 * GC, GC)]

            pltpu.make_async_copy(tmp_q.at[sa], rows_a, sem_ga).wait()
            pltpu.async_copy(rows_a, agg_sh.at[da], sem_sa, add=True)
            pltpu.make_async_copy(tmp_q.at[sb], rows_b, sem_gb).wait()
            pltpu.async_copy(rows_b, agg_sh.at[db], sem_sb, add=True)
            pltpu.make_async_copy(rows_a, agg_sh.at[da], sem_sa).wait()

            @pl.when(i < NG // 2 - 1)
            def _():
                pltpu.async_copy(tmp_q.at[src_v.at[pl.ds((g0 + 2) * GC, GC)]],
                                 rows_a, sem_ga)

            pltpu.make_async_copy(rows_b, agg_sh.at[db], sem_sb).wait()

            @pl.when(i < NG // 2 - 1)
            def _():
                pltpu.async_copy(tmp_q.at[src_v.at[pl.ds((g1 + 2) * GC, GC)]],
                                 rows_b, sem_gb)

            return carry

        lax.fori_loop(0, NG // 2, body, 0)
        plsc.subcore_barrier()
        pltpu.sync_copy(agg_sh.at[pl.ds(s * RPT, RPT)],
                        agg_hbm.at[q, pl.ds(s * RPT, RPT)])


def _sc_segsum(srcq, dst2d, tmpf, zer):
    mesh = plsc.VectorSubcoreMesh(core_axis_name="c", subcore_axis_name="s",
                                  num_cores=NC, num_subcores=NS)
    return pl.kernel(
        _sc_body,
        out_type=pltpu.HBM((NQ, NPAD, QD), jnp.float32),
        mesh=mesh,
        compiler_params=pltpu.CompilerParams(use_tc_tiling_on_sc=False),
        scratch_types=[
            pltpu.VMEM((EPT,), jnp.int32),
            pltpu.VMEM((EPT,), jnp.int32),
            pltpu.VMEM((GRP * CHUNK, QD), jnp.float32),
            pltpu.VMEM((GRP * CHUNK, QD), jnp.float32),
            pltpu.VMEM_SHARED((NPAD, QD), jnp.float32),
            pltpu.SemaphoreType.DMA,
            pltpu.SemaphoreType.DMA,
            pltpu.SemaphoreType.DMA,
            pltpu.SemaphoreType.DMA,
        ],
    )(srcq, dst2d, tmpf, zer)


def _leaky(x):
    return jnp.where(x >= 0, x, 0.01 * x)


def _iqspec(q):
    return pl.BlockSpec((1, RB, 128), lambda j, q=q: (q, j, 0))


def _tqspec(q):
    return pl.BlockSpec((1, RB, 128), lambda j, q=q: (q // PPC, j, q % PPC))


def _cspec(shape):
    return pl.BlockSpec(shape, lambda j, shape=shape: tuple(0 for _ in shape))


def _xlayer_body(*refs):
    ts = refs[0:NQ]
    As = refs[NQ:2 * NQ]
    w_ref, b_ref, x_ref, st_ref = refs[2 * NQ:]
    j = pl.program_id(0)
    h = jnp.concatenate([ts[q][0] + As[q][0] for q in range(NQ)], axis=1)
    x = jnp.dot(h, w_ref[...], preferred_element_type=jnp.float32) + b_ref[...]
    x_ref[...] = x
    rows = j * RB + lax.broadcasted_iota(jnp.int32, (RB, 1), 0)
    xm = jnp.where(rows < NVAL, x, 0.0)

    @pl.when(j == 0)
    def _():
        st_ref[...] = jnp.zeros_like(st_ref)

    st_ref[0:1, :] += jnp.sum(xm, axis=0, keepdims=True)
    st_ref[1:2, :] += jnp.sum(xm * xm, axis=0, keepdims=True)


def _xlayer(tmpI, aggI, Wexp, b512):
    return pl.pallas_call(
        _xlayer_body,
        grid=(GB,),
        in_specs=([_tqspec(q) for q in range(NQ)]
                  + [_iqspec(q) for q in range(NQ)]
                  + [_cspec((NQ * 128, 512)), _cspec((1, 512))]),
        out_specs=[
            pl.BlockSpec((RB, 512), lambda j: (j, 0)),
            pl.BlockSpec((8, 512), lambda j: (0, 0)),
        ],
        out_shape=[
            jax.ShapeDtypeStruct((NR, 512), jnp.float32),
            jax.ShapeDtypeStruct((8, 512), jnp.float32),
        ],
    )(*([tmpI] * NQ), *([aggI] * NQ), Wexp, b512)


def _bn512(st_ref, F_ref, G_ref, g_ref, b_ref):
    m = jnp.dot(st_ref[0:1, :], F_ref[...],
                preferred_element_type=jnp.float32) * (1.0 / N)
    em2 = jnp.dot(st_ref[1:2, :], F_ref[...],
                  preferred_element_type=jnp.float32) * (1.0 / N)
    inv = lax.rsqrt(em2 - m * m + 1e-5)
    scale = jnp.dot(inv, G_ref[...], preferred_element_type=jnp.float32)
    off = jnp.dot(m * inv, G_ref[...], preferred_element_type=jnp.float32)
    return scale * g_ref[...], b_ref[...] - off * g_ref[...]


def _ylayer_body(*refs):
    st_ref, x_ref, F_ref, G_ref = refs[0:4]
    ts = refs[4:4 + NQ]
    g_ref, b_ref, w_ref, wx_ref, b1_ref, y_ref, sty_ref = refs[4 + NQ:]
    j = pl.program_id(0)
    sc, of = _bn512(st_ref, F_ref, G_ref, g_ref, b_ref)
    xn = _leaky(x_ref[...] * sc + of)
    tcat = jnp.concatenate([ts[q][0] for q in range(NQ)], axis=1)
    y = (jnp.dot(tcat, w_ref[...], preferred_element_type=jnp.float32)
         + jnp.dot(xn, wx_ref[...], preferred_element_type=jnp.float32)
         + b1_ref[...])
    y_ref[...] = y
    rows = j * RB + lax.broadcasted_iota(jnp.int32, (RB, 1), 0)
    ym = jnp.where(rows < NVAL, y, 0.0)

    @pl.when(j == 0)
    def _():
        sty_ref[...] = jnp.zeros_like(sty_ref)

    sty_ref[0:1, :] += jnp.sum(ym, axis=0, keepdims=True)
    sty_ref[1:2, :] += jnp.sum(ym * ym, axis=0, keepdims=True)


def _ylayer(st_x, x2, tmpI, F, G, g512, b512, W1e, W1x, b1_512):
    return pl.pallas_call(
        _ylayer_body,
        grid=(GB,),
        in_specs=([_cspec((8, 512)),
                   pl.BlockSpec((RB, 512), lambda j: (j, 0)),
                   _cspec((512, DIM)), _cspec((DIM, 512))]
                  + [_tqspec(q) for q in range(NQ)]
                  + [_cspec((1, 512)), _cspec((1, 512)),
                     _cspec((NQ * 128, 512)), _cspec((512, 512)),
                     _cspec((1, 512))]),
        out_specs=[
            pl.BlockSpec((RB, 512), lambda j: (j, 0)),
            pl.BlockSpec((8, 512), lambda j: (0, 0)),
        ],
        out_shape=[
            jax.ShapeDtypeStruct((NR, 512), jnp.float32),
            jax.ShapeDtypeStruct((8, 512), jnp.float32),
        ],
    )(st_x, x2, F, G, *([tmpI] * NQ), g512, b512, W1e, W1x, b1_512)


def _zlayer_body(st_ref, y_ref, F_ref, G_ref, g_ref, b_ref, w2_ref, b2_ref,
                 z_ref):
    sc, of = _bn512(st_ref, F_ref, G_ref, g_ref, b_ref)
    yn = _leaky(y_ref[...] * sc + of)
    z = jnp.dot(yn, w2_ref[...], preferred_element_type=jnp.float32) + b2_ref[...]
    z_ref[...] = 1.0 / (1.0 + jnp.exp(-z))


def _zlayer(st_y, y2, F, G, g512, b512, W2e, b2):
    return pl.pallas_call(
        _zlayer_body,
        grid=(GB,),
        in_specs=[_cspec((8, 512)),
                  pl.BlockSpec((RB, 512), lambda j: (j, 0)),
                  _cspec((512, DIM)), _cspec((DIM, 512)),
                  _cspec((1, 512)), _cspec((1, 512)),
                  _cspec((512, IL)), _cspec((1, 1))],
        out_specs=pl.BlockSpec((RB, IL), lambda j: (j, 0)),
        out_shape=jax.ShapeDtypeStruct((NR, IL), jnp.float32),
    )(st_y, y2, F, G, g512, b512, W2e, b2)


def kernel(node_deg, node_lab, edge_index, embed_deg_w, embed_lab_w,
           W0, b0, bn0_g, bn0_b, fc_W1, fc_b1, fc_bn_g, fc_bn_b, fc_W2, fc_b2):
    i32 = jnp.int32
    f32 = jnp.float32
    npad = NPAD - N
    vals2 = jnp.stack([
        jnp.concatenate([node_deg.astype(i32), jnp.zeros((npad,), i32)]),
        jnp.concatenate([node_lab.astype(i32), jnp.zeros((npad,), i32)]),
    ])
    vrep2 = jnp.repeat(vals2.astype(jnp.bfloat16), 64, axis=1).reshape(2, NR, 1024)
    tabs = jnp.stack([embed_deg_w,
                      jnp.pad(embed_lab_w, ((0, 64 - embed_lab_w.shape[0]), (0, 0)))])
    tabs8 = tabs.reshape(2, 64, PPC, QD).transpose(0, 2, 1, 3).reshape(NQ, 64, QD)
    eye16 = jnp.eye(IL, dtype=f32)
    kbig2 = jnp.stack([
        jnp.concatenate([jnp.kron(eye16, tabs8[PPC * t + qq]) for qq in range(PPC)],
                        axis=1) for t in range(2)])

    epad = EPAD - E
    srcp = jnp.concatenate([edge_index[0].astype(i32), jnp.zeros((epad,), i32)])
    dstp = jnp.concatenate([edge_index[1].astype(i32), jnp.full((epad,), N, i32)])
    srcq = (srcp + 48 * (srcp // IL)).reshape(NS, EPT)
    dst2d = dstp.reshape(NS, EPT)
    zer = jnp.zeros((RPT, QD), f32)

    tmp2 = _embed(vrep2, kbig2)
    tmpf = tmp2.reshape(2 * NR * 64, QD)
    agg8 = _sc_segsum(srcq, dst2d, tmpf, zer)
    aggI = agg8.reshape(NQ, NR, 128)
    Wexp = jnp.concatenate(
        [jnp.kron(eye16, W0[QD * q:QD * (q + 1), :]) for q in range(NQ)], axis=0)
    W1e = jnp.concatenate(
        [jnp.kron(eye16, fc_W1[QD * q:QD * (q + 1), :]) for q in range(NQ)], axis=0)
    W1x = jnp.kron(eye16, fc_W1[2 * DIM:, :])
    W2e = jnp.kron(eye16, fc_W2)
    F = jnp.tile(jnp.eye(DIM, dtype=f32), (IL, 1))
    G = jnp.tile(jnp.eye(DIM, dtype=f32), (1, IL))

    def t16(v):
        return jnp.tile(v, IL).reshape(1, 512)

    x2, st_x = _xlayer(tmp2, aggI, Wexp, t16(b0))
    y2, st_y = _ylayer(st_x, x2, tmp2, F, G, t16(bn0_g), t16(bn0_b),
                       W1e, W1x, t16(fc_b1))
    z2 = _zlayer(st_y, y2, F, G, t16(fc_bn_g), t16(fc_bn_b), W2e,
                 fc_b2.reshape(1, 1))
    return z2.reshape(NPAD)[:N]

# --- scband reference (transcript-rebuilt; emitter-appended) ---
"""Pipeline reference for scband-filtration-23665269801453 (READ-ONLY COPY).

The authoritative reference and input builder live on the scoring server;
editing this copy changes nothing except your own understanding.
"""

import jax, jax.numpy as jnp
import numpy as np

N = 50000
E = 800000
DIM = 32
MAX_DEG = 63
NUM_LAB = 16


def setup_inputs(seed: int = 0) -> dict:
    key = jax.random.key(seed)
    ks = jax.random.split(key, 12)
    node_deg = jax.random.randint(ks[0], (N,), 0, MAX_DEG + 1)
    node_lab = jax.random.randint(ks[1], (N,), 0, NUM_LAB)
    edge_index = jax.random.randint(ks[2], (2, E), 0, N)
    embed_deg_w = jax.random.normal(ks[3], (MAX_DEG + 1, DIM), jnp.float32)
    embed_lab_w = jax.random.normal(ks[4], (NUM_LAB, DIM), jnp.float32)
    W0 = jax.random.normal(ks[5], (2 * DIM, DIM), jnp.float32) * 0.05
    b0 = jnp.zeros((DIM,), jnp.float32)
    bn0_g = jnp.ones((DIM,), jnp.float32)
    bn0_b = jnp.zeros((DIM,), jnp.float32)
    fc_W1 = jax.random.normal(ks[6], (3 * DIM, DIM), jnp.float32) * 0.05
    fc_b1 = jnp.zeros((DIM,), jnp.float32)
    fc_bn_g = jnp.ones((DIM,), jnp.float32)
    fc_bn_b = jnp.zeros((DIM,), jnp.float32)
    fc_W2 = jax.random.normal(ks[7], (DIM, 1), jnp.float32) * 0.05
    fc_b2 = jnp.zeros((1,), jnp.float32)
    return {"node_deg": node_deg, "node_lab": node_lab, "edge_index": edge_index,
            "embed_deg_w": embed_deg_w, "embed_lab_w": embed_lab_w,
            "W0": W0, "b0": b0, "bn0_g": bn0_g, "bn0_b": bn0_b,
            "fc_W1": fc_W1, "fc_b1": fc_b1, "fc_bn_g": fc_bn_g, "fc_bn_b": fc_bn_b,
            "fc_W2": fc_W2, "fc_b2": fc_b2}


def _batchnorm(x, g, b, eps=1e-5):
    m = jnp.mean(x, axis=0)
    v = jnp.mean((x - m) ** 2, axis=0)
    return (x - m) / jnp.sqrt(v + eps) * g + b


def _leaky(x):
    return jnp.where(x >= 0, x, 0.01 * x)


def reference(node_deg, node_lab, edge_index, embed_deg_w, embed_lab_w,
              W0, b0, bn0_g, bn0_b, fc_W1, fc_b1, fc_bn_g, fc_bn_b, fc_W2, fc_b2):
    # embedding lookups (gather)
    tmp = jnp.concatenate([jnp.take(embed_deg_w, node_deg, axis=0),
                           jnp.take(embed_lab_w, node_lab, axis=0)], axis=1)
    # GINConv with eps=0: nn(x + sum_{j in N(i)} x_j)
    src = edge_index[0]
    dst = edge_index[1]
    agg = jax.ops.segment_sum(jnp.take(tmp, src, axis=0), dst, num_segments=N)
    h = tmp + agg
    x = h @ W0 + b0
    x = _leaky(_batchnorm(x, bn0_g, bn0_b))
    xcat = jnp.concatenate([tmp, x], axis=1)
    y = xcat @ fc_W1 + fc_b1
    y = _leaky(_batchnorm(y, fc_bn_g, fc_bn_b))
    y = jax.nn.sigmoid(y @ fc_W2 + fc_b2)
    return jnp.squeeze(y, axis=-1)

if __name__ == "__main__":
    import jax
    _d = setup_inputs()
    print(jax.jit(kernel)(*tuple(_d.values())))

</pallas_src>

<mosaic_0001>
#map = affine_map<(d0, d1) -> (0, 0)>
#map1 = affine_map<(d0, d1) -> (0, 0, 0)>
module attributes {stable_mosaic.version = 14 : i64} {
  func.func @_sc_body(%arg0: i32, %arg1: i32, %arg2: memref<16x50176xi32, #tpu.memory_space<hbm>>, %arg3: memref<16x50176xi32, #tpu.memory_space<hbm>>, %arg4: memref<409600x8xf32, #tpu.memory_space<hbm>>, %arg5: memref<3200x8xf32, #tpu.memory_space<hbm>>, %arg6: memref<8x51200x8xf32, #tpu.memory_space<hbm>>, %arg7: memref<50176xi32, #tpu.memory_space<vmem>>, %arg8: memref<50176xi32, #tpu.memory_space<vmem>>, %arg9: memref<256x8xf32, #tpu.memory_space<vmem>>, %arg10: memref<256x8xf32, #tpu.memory_space<vmem>>, %arg11: memref<51200x8xf32, #tpu.memory_space<vmem_shared>>, %arg12: memref<!tpu.dma_semaphore, #tpu.memory_space<semaphore_mem>>, %arg13: memref<!tpu.dma_semaphore, #tpu.memory_space<semaphore_mem>>, %arg14: memref<!tpu.dma_semaphore, #tpu.memory_space<semaphore_mem>>, %arg15: memref<!tpu.dma_semaphore, #tpu.memory_space<semaphore_mem>>) attributes {dimension_semantics = [#tpu.dimension_semantics<core_parallel>, #tpu.dimension_semantics<subcore_parallel>], iteration_bounds = array<i64: 2, 16>, scalar_prefetch = 0 : i64, scratch_operands = 9 : i64, tpu.core_type = #tpu.core_type<sc_vector_subcore>, window_params = [{transform_indices = #map}, {transform_indices = #map}, {transform_indices = #map}, {transform_indices = #map}, {transform_indices = #map1}]} {
    "tpu.region"() ({
      %run_scoped3A = tpu.sem_alloc : memref<!tpu.dma_semaphore, #tpu.memory_space<semaphore_mem>>
      %dma_start3A_139 = arith.constant 0 : i32
      %dma_start3A_140 = tpu.memref_slice %arg3[%arg1, %dma_start3A_139] : memref<16x50176xi32, #tpu.memory_space<hbm>> -> memref<1x50176xi32, #tpu.memory_space<hbm>>
      %dma_start3A_141 = tpu.memref_squeeze %dma_start3A_140 : memref<1x50176xi32, #tpu.memory_space<hbm>> -> memref<50176xi32, #tpu.memory_space<hbm>>
      %dma_start3A_142 = arith.constant 0 : i32
      %dma_start3A_143 = tpu.memref_slice %arg3[%arg1, %dma_start3A_142] : memref<16x50176xi32, #tpu.memory_space<hbm>> -> memref<1x50176xi32, #tpu.memory_space<hbm>>
      %dma_start3A_144 = tpu.memref_squeeze %dma_start3A_143 : memref<1x50176xi32, #tpu.memory_space<hbm>> -> memref<50176xi32, #tpu.memory_space<hbm>>
      tpu.enqueue_dma source(%dma_start3A_144 : memref<50176xi32, #tpu.memory_space<hbm>>) target(%arg8 : memref<50176xi32, #tpu.memory_space<vmem>>) target_semaphore(%run_scoped3A : memref<!tpu.dma_semaphore, #tpu.memory_space<semaphore_mem>>)
      %dma_wait3A = arith.constant 0 : i32
      %dma_wait3A_145 = tpu.memref_slice %arg3[%arg1, %dma_wait3A] : memref<16x50176xi32, #tpu.memory_space<hbm>> -> memref<1x50176xi32, #tpu.memory_space<hbm>>
      %dma_wait3A_146 = tpu.memref_squeeze %dma_wait3A_145 : memref<1x50176xi32, #tpu.memory_space<hbm>> -> memref<50176xi32, #tpu.memory_space<hbm>>
      %dma_wait3A_147 = arith.constant 0 : i32
      %dma_wait3A_148 = tpu.memref_slice %arg3[%arg1, %dma_wait3A_147] : memref<16x50176xi32, #tpu.memory_space<hbm>> -> memref<1x50176xi32, #tpu.memory_space<hbm>>
      %dma_wait3A_149 = tpu.memref_squeeze %dma_wait3A_148 : memref<1x50176xi32, #tpu.memory_space<hbm>> -> memref<50176xi32, #tpu.memory_space<hbm>>
      tpu.wait_dma2 semaphore(%run_scoped3A : memref<!tpu.dma_semaphore, #tpu.memory_space<semaphore_mem>>) src(%dma_wait3A_149 : memref<50176xi32, #tpu.memory_space<hbm>>) dst(%arg8 : memref<50176xi32, #tpu.memory_space<vmem>>)
      tpu.yield
    }) : () -> ()
    "tpu.region"() ({
      %run_scoped3A = tpu.sem_alloc : memref<!tpu.dma_semaphore, #tpu.memory_space<semaphore_mem>>
      %dma_start3A_139 = arith.constant 0 : i32
      %dma_start3A_140 = tpu.memref_slice %arg2[%arg1, %dma_start3A_139] : memref<16x50176xi32, #tpu.memory_space<hbm>> -> memref<1x50176xi32, #tpu.memory_space<hbm>>
      %dma_start3A_141 = tpu.memref_squeeze %dma_start3A_140 : memref<1x50176xi32, #tpu.memory_space<hbm>> -> memref<50176xi32, #tpu.memory_space<hbm>>
      %dma_start3A_142 = arith.constant 0 : i32
      %dma_start3A_143 = tpu.memref_slice %arg2[%arg1, %dma_start3A_142] : memref<16x50176xi32, #tpu.memory_space<hbm>> -> memref<1x50176xi32, #tpu.memory_space<hbm>>
      %dma_start3A_144 = tpu.memref_squeeze %dma_start3A_143 : memref<1x50176xi32, #tpu.memory_space<hbm>> -> memref<50176xi32, #tpu.memory_space<hbm>>
      tpu.enqueue_dma source(%dma_start3A_144 : memref<50176xi32, #tpu.memory_space<hbm>>) target(%arg7 : memref<50176xi32, #tpu.memory_space<vmem>>) target_semaphore(%run_scoped3A : memref<!tpu.dma_semaphore, #tpu.memory_space<semaphore_mem>>)
      %dma_wait3A = arith.constant 0 : i32
      %dma_wait3A_145 = tpu.memref_slice %arg2[%arg1, %dma_wait3A] : memref<16x50176xi32, #tpu.memory_space<hbm>> -> memref<1x50176xi32, #tpu.memory_space<hbm>>
      %dma_wait3A_146 = tpu.memref_squeeze %dma_wait3A_145 : memref<1x50176xi32, #tpu.memory_space<hbm>> -> memref<50176xi32, #tpu.memory_space<hbm>>
      %dma_wait3A_147 = arith.constant 0 : i32
      %dma_wait3A_148 = tpu.memref_slice %arg2[%arg1, %dma_wait3A_147] : memref<16x50176xi32, #tpu.memory_space<hbm>> -> memref<1x50176xi32, #tpu.memory_space<hbm>>
      %dma_wait3A_149 = tpu.memref_squeeze %dma_wait3A_148 : memref<1x50176xi32, #tpu.memory_space<hbm>> -> memref<50176xi32, #tpu.memory_space<hbm>>
      tpu.wait_dma2 semaphore(%run_scoped3A : memref<!tpu.dma_semaphore, #tpu.memory_space<semaphore_mem>>) src(%dma_wait3A_149 : memref<50176xi32, #tpu.memory_space<hbm>>) dst(%arg7 : memref<50176xi32, #tpu.memory_space<vmem>>)
      tpu.yield
    }) : () -> ()
    %mul3A = arith.constant 4 : i32
    %mul3A_0 = arith.muli %mul3A, %arg0 : i32
    %add3A = arith.constant 0 : i32
    %add3A_1 = arith.addi %mul3A_0, %add3A : i32
    %mul3A_2 = arith.constant 3200 : i32
    %mul3A_3 = arith.muli %arg1, %mul3A_2 : i32
    "tpu.region"() ({
      %run_scoped3A = tpu.sem_alloc : memref<!tpu.dma_semaphore, #tpu.memory_space<semaphore_mem>>
      %dma_start3A_139 = arith.constant 0 : i32
      %dma_start3A_140 = tpu.memref_slice %arg11[%mul3A_3, %dma_start3A_139] : memref<51200x8xf32, #tpu.memory_space<vmem_shared>> -> memref<3200x8xf32, #tpu.memory_space<vmem_shared>>
      tpu.enqueue_dma source(%arg5 : memref<3200x8xf32, #tpu.memory_space<hbm>>) target(%dma_start3A_140 : memref<3200x8xf32, #tpu.memory_space<vmem_shared>>) target_semaphore(%run_scoped3A : memref<!tpu.dma_semaphore, #tpu.memory_space<semaphore_mem>>)
      %dma_wait3A = arith.constant 0 : i32
      %dma_wait3A_141 = tpu.memref_slice %arg11[%mul3A_3, %dma_wait3A] : memref<51200x8xf32, #tpu.memory_space<vmem_shared>> -> memref<3200x8xf32, #tpu.memory_space<vmem_shared>>
      tpu.wait_dma2 semaphore(%run_scoped3A : memref<!tpu.dma_semaphore, #tpu.memory_space<semaphore_mem>>) src(%arg5 : memref<3200x8xf32, #tpu.memory_space<hbm>>) dst(%dma_wait3A_141 : memref<3200x8xf32, #tpu.memory_space<vmem_shared>>)
      tpu.yield
    }) : () -> ()
    %barrier3A = arith.constant 0 : index
    tpu.barrier barrier_id(%barrier3A)
    %mul3A_4 = arith.constant 204800 : i32
    %mul3A_5 = arith.muli %arg0, %mul3A_4 : i32
    %add3A_6 = arith.constant 0 : i32
    %add3A_7 = arith.addi %mul3A_5, %add3A_6 : i32
    %dma_start3A = arith.constant 0 : i32
    %dma_start3A_8 = tpu.memref_slice %arg7[%dma_start3A] : memref<50176xi32, #tpu.memory_space<vmem>> -> memref<256xi32, #tpu.memory_space<vmem>>
    %dma_start3A_9 = arith.constant 0 : i32
    %dma_start3A_10 = tpu.memref_slice %arg4[%add3A_7, %dma_start3A_9] : memref<409600x8xf32, #tpu.memory_space<hbm>> -> memref<204800x8xf32, #tpu.memory_space<hbm>>
    %dma_start3A_11 = arith.constant 0 : i32
    %dma_start3A_12 = arith.constant 0 : i32
    %dma_start3A_13 = tpu.memref_slice %dma_start3A_10[%dma_start3A_11, %dma_start3A_12] : memref<204800x8xf32, #tpu.memory_space<hbm>> -> memref<204800x8xf32, #tpu.memory_space<hbm>>
    tpu.enqueue_indirect_dma source(%dma_start3A_13 : memref<204800x8xf32, #tpu.memory_space<hbm>>) target(%arg9 : memref<256x8xf32, #tpu.memory_space<vmem>>) offsets(%dma_start3A_8 : memref<256xi32, #tpu.memory_space<vmem>>) semaphore(%arg12 : memref<!tpu.dma_semaphore, #tpu.memory_space<semaphore_mem>>)
    %dma_start3A_14 = arith.constant 256 : i32
    %dma_start3A_15 = tpu.memref_slice %arg7[%dma_start3A_14] : memref<50176xi32, #tpu.memory_space<vmem>> -> memref<256xi32, #tpu.memory_space<vmem>>
    %dma_start3A_16 = arith.constant 0 : i32
    %dma_start3A_17 = tpu.memref_slice %arg4[%add3A_7, %dma_start3A_16] : memref<409600x8xf32, #tpu.memory_space<hbm>> -> memref<204800x8xf32, #tpu.memory_space<hbm>>
    %dma_start3A_18 = arith.constant 0 : i32
    %dma_start3A_19 = arith.constant 0 : i32
    %dma_start3A_20 = tpu.memref_slice %dma_start3A_17[%dma_start3A_18, %dma_start3A_19] : memref<204800x8xf32, #tpu.memory_space<hbm>> -> memref<204800x8xf32, #tpu.memory_space<hbm>>
    tpu.enqueue_indirect_dma source(%dma_start3A_20 : memref<204800x8xf32, #tpu.memory_space<hbm>>) target(%arg10 : memref<256x8xf32, #tpu.memory_space<vmem>>) offsets(%dma_start3A_15 : memref<256xi32, #tpu.memory_space<vmem>>) semaphore(%arg13 : memref<!tpu.dma_semaphore, #tpu.memory_space<semaphore_mem>>)
    %scan3A = arith.constant 0 : i32
    %scan3A_21 = arith.constant 0 : i32
    %scan3A_22 = arith.constant 98 : i32
    %scan3A_23 = arith.addi %scan3A_21, %scan3A_22 : i32
    %scan3A_24 = arith.constant 1 : i32
    scf.for %scan3A_139 = %scan3A_21 to %scan3A_23 step %scan3A_24  : i32 {
      %mul3A_140 = arith.constant 2 : i32
      %mul3A_141 = arith.muli %mul3A_140, %scan3A_139 : i32
      %mul3A_142 = arith.constant 2 : i32
      %mul3A_143 = arith.muli %mul3A_142, %scan3A_139 : i32
      %add3A_144 = arith.constant 1 : i32
      %add3A_145 = arith.addi %mul3A_143, %add3A_144 : i32
      %mul3A_146 = arith.constant 256 : i32
      %mul3A_147 = arith.muli %mul3A_141, %mul3A_146 : i32
      %mul3A_148 = arith.constant 256 : i32
      %mul3A_149 = arith.muli %add3A_145, %mul3A_148 : i32
      %mul3A_150 = arith.constant 256 : i32
      %mul3A_151 = arith.muli %mul3A_141, %mul3A_150 : i32
      %mul3A_152 = arith.constant 256 : i32
      %mul3A_153 = arith.muli %add3A_145, %mul3A_152 : i32
      %dma_wait3A = tpu.memref_slice %arg7[%mul3A_147] : memref<50176xi32, #tpu.memory_space<vmem>> -> memref<256xi32, #tpu.memory_space<vmem>>
      %dma_wait3A_154 = arith.constant 0 : i32
      %dma_wait3A_155 = tpu.memref_slice %arg4[%add3A_7, %dma_wait3A_154] : memref<409600x8xf32, #tpu.memory_space<hbm>> -> memref<204800x8xf32, #tpu.memory_space<hbm>>
      %dma_wait3A_156 = arith.constant 0 : i32
      %dma_wait3A_157 = arith.constant 0 : i32
      %dma_wait3A_158 = tpu.memref_slice %dma_wait3A_155[%dma_wait3A_156, %dma_wait3A_157] : memref<204800x8xf32, #tpu.memory_space<hbm>> -> memref<204800x8xf32, #tpu.memory_space<hbm>>
      tpu.wait_indirect_dma semaphore(%arg12 : memref<!tpu.dma_semaphore, #tpu.memory_space<semaphore_mem>>) src(%dma_wait3A_158 : memref<204800x8xf32, #tpu.memory_space<hbm>>) dst(%arg9 : memref<256x8xf32, #tpu.memory_space<vmem>>)
      %dma_start3A_159 = tpu.memref_slice %arg8[%mul3A_151] : memref<50176xi32, #tpu.memory_space<vmem>> -> memref<256xi32, #tpu.memory_space<vmem>>
      %dma_start3A_160 = arith.constant 0 : i32
      %dma_start3A_161 = arith.constant 0 : i32
      %dma_start3A_162 = tpu.memref_slice %arg11[%dma_start3A_160, %dma_start3A_161] : memref<51200x8xf32, #tpu.memory_space<vmem_shared>> -> memref<51200x8xf32, #tpu.memory_space<vmem_shared>>
      tpu.enqueue_indirect_dma source(%arg9 : memref<256x8xf32, #tpu.memory_space<vmem>>) target(%dma_start3A_162 : memref<51200x8xf32, #tpu.memory_space<vmem_shared>>) offsets(%dma_start3A_159 : memref<256xi32, #tpu.memory_space<vmem>>) semaphore(%arg14 : memref<!tpu.dma_semaphore, #tpu.memory_space<semaphore_mem>>) {add = true}
      %dma_wait3A_163 = tpu.memref_slice %arg7[%mul3A_149] : memref<50176xi32, #tpu.memory_space<vmem>> -> memref<256xi32, #tpu.memory_space<vmem>>
      %dma_wait3A_164 = arith.constant 0 : i32
      %dma_wait3A_165 = tpu.memref_slice %arg4[%add3A_7, %dma_wait3A_164] : memref<409600x8xf32, #tpu.memory_space<hbm>> -> memref<204800x8xf32, #tpu.memory_space<hbm>>
      %dma_wait3A_166 = arith.constant 0 : i32
      %dma_wait3A_167 = arith.constant 0 : i32
      %dma_wait3A_168 = tpu.memref_slice %dma_wait3A_165[%dma_wait3A_166, %dma_wait3A_167] : memref<204800x8xf32, #tpu.memory_space<hbm>> -> memref<204800x8xf32, #tpu.memory_space<hbm>>
      tpu.wait_indirect_dma semaphore(%arg13 : memref<!tpu.dma_semaphore, #tpu.memory_space<semaphore_mem>>) src(%dma_wait3A_168 : memref<204800x8xf32, #tpu.memory_space<hbm>>) dst(%arg10 : memref<256x8xf32, #tpu.memory_space<vmem>>)
      %dma_start3A_169 = tpu.memref_slice %arg8[%mul3A_153] : memref<50176xi32, #tpu.memory_space<vmem>> -> memref<256xi32, #tpu.memory_space<vmem>>
      %dma_start3A_170 = arith.constant 0 : i32
      %dma_start3A_171 = arith.constant 0 : i32
      %dma_start3A_172 = tpu.memref_slice %arg11[%dma_start3A_170, %dma_start3A_171] : memref<51200x8xf32, #tpu.memory_space<vmem_shared>> -> memref<51200x8xf32, #tpu.memory_space<vmem_shared>>
      tpu.enqueue_indirect_dma source(%arg10 : memref<256x8xf32, #tpu.memory_space<vmem>>) target(%dma_start3A_172 : memref<51200x8xf32, #tpu.memory_space<vmem_shared>>) offsets(%dma_start3A_169 : memref<256xi32, #tpu.memory_space<vmem>>) semaphore(%arg15 : memref<!tpu.dma_semaphore, #tpu.memory_space<semaphore_mem>>) {add = true}
      %dma_wait3A_173 = tpu.memref_slice %arg8[%mul3A_151] : memref<50176xi32, #tpu.memory_space<vmem>> -> memref<256xi32, #tpu.memory_space<vmem>>
      %dma_wait3A_174 = arith.constant 0 : i32
      %dma_wait3A_175 = arith.constant 0 : i32
      %dma_wait3A_176 = tpu.memref_slice %arg11[%dma_wait3A_174, %dma_wait3A_175] : memref<51200x8xf32, #tpu.memory_space<vmem_shared>> -> memref<51200x8xf32, #tpu.memory_space<vmem_shared>>
      tpu.wait_indirect_dma semaphore(%arg14 : memref<!tpu.dma_semaphore, #tpu.memory_space<semaphore_mem>>) src(%arg9 : memref<256x8xf32, #tpu.memory_space<vmem>>) dst(%dma_wait3A_176 : memref<51200x8xf32, #tpu.memory_space<vmem_shared>>)
      %lt3A = arith.constant 97 : i32
      %lt3A_177 = arith.cmpi slt, %scan3A_139, %lt3A : i32
      %convert_element_type3A = arith.extui %lt3A_177 : i1 to i32
      %cond3A = arith.constant 0 : i32
      %cond3A_178 = arith.cmpi ne, %convert_element_type3A, %cond3A : i32
      scf.if %cond3A_178 {
        %add3A_188 = arith.constant 2 : i32
        %add3A_189 = arith.addi %mul3A_141, %add3A_188 : i32
        %mul3A_190 = arith.constant 256 : i32
        %mul3A_191 = arith.muli %add3A_189, %mul3A_190 : i32
        %dma_start3A_192 = tpu.memref_slice %arg7[%mul3A_191] : memref<50176xi32, #tpu.memory_space<vmem>> -> memref<256xi32, #tpu.memory_space<vmem>>
        %dma_start3A_193 = arith.constant 0 : i32
        %dma_start3A_194 = tpu.memref_slice %arg4[%add3A_7, %dma_start3A_193] : memref<409600x8xf32, #tpu.memory_space<hbm>> -> memref<204800x8xf32, #tpu.memory_space<hbm>>
        %dma_start3A_195 = arith.constant 0 : i32
        %dma_start3A_196 = arith.constant 0 : i32
        %dma_start3A_197 = tpu.memref_slice %dma_start3A_194[%dma_start3A_195, %dma_start3A_196] : memref<204800x8xf32, #tpu.memory_space<hbm>> -> memref<204800x8xf32, #tpu.memory_space<hbm>>
        tpu.enqueue_indirect_dma source(%dma_start3A_197 : memref<204800x8xf32, #tpu.memory_space<hbm>>) target(%arg9 : memref<256x8xf32, #tpu.memory_space<vmem>>) offsets(%dma_start3A_192 : memref<256xi32, #tpu.memory_space<vmem>>) semaphore(%arg12 : memref<!tpu.dma_semaphore, #tpu.memory_space<semaphore_mem>>)
      } else {
      }
      %dma_wait3A_179 = tpu.memref_slice %arg8[%mul3A_153] : memref<50176xi32, #tpu.memory_space<vmem>> -> memref<256xi32, #tpu.memory_space<vmem>>
      %dma_wait3A_180 = arith.constant 0 : i32
      %dma_wait3A_181 = arith.constant 0 : i32
      %dma_wait3A_182 = tpu.memref_slice %arg11[%dma_wait3A_180, %dma_wait3A_181] : memref<51200x8xf32, #tpu.memory_space<vmem_shared>> -> memref<51200x8xf32, #tpu.memory_space<vmem_shared>>
      tpu.wait_indirect_dma semaphore(%arg15 : memref<!tpu.dma_semaphore, #tpu.memory_space<semaphore_mem>>) src(%arg10 : memref<256x8xf32, #tpu.memory_space<vmem>>) dst(%dma_wait3A_182 : memref<51200x8xf32, #tpu.memory_space<vmem_shared>>)
      %lt3A_183 = arith.constant 97 : i32
      %lt3A_184 = arith.cmpi slt, %scan3A_139, %lt3A_183 : i32
      %convert_element_type3A_185 = arith.extui %lt3A_184 : i1 to i32
      %cond3A_186 = arith.constant 0 : i32
      %cond3A_187 = arith.cmpi ne, %convert_element_type3A_185, %cond3A_186 : i32
      scf.if %cond3A_187 {
        %add3A_188 = arith.constant 2 : i32
        %add3A_189 = arith.addi %add3A_145, %add3A_188 : i32
        %mul3A_190 = arith.constant 256 : i32
        %mul3A_191 = arith.muli %add3A_189, %mul3A_190 : i32
        %dma_start3A_192 = tpu.memref_slice %arg7[%mul3A_191] : memref<50176xi32, #tpu.memory_space<vmem>> -> memref<256xi32, #tpu.memory_space<vmem>>
        %dma_start3A_193 = arith.constant 0 : i32
        %dma_start3A_194 = tpu.memref_slice %arg4[%add3A_7, %dma_start3A_193] : memref<409600x8xf32, #tpu.memory_space<hbm>> -> memref<204800x8xf32, #tpu.memory_space<hbm>>
        %dma_start3A_195 = arith.constant 0 : i32
        %dma_start3A_196 = arith.constant 0 : i32
        %dma_start3A_197 = tpu.memref_slice %dma_start3A_194[%dma_start3A_195, %dma_start3A_196] : memref<204800x8xf32, #tpu.memory_space<hbm>> -> memref<204800x8xf32, #tpu.memory_space<hbm>>
        tpu.enqueue_indirect_dma source(%dma_start3A_197 : memref<204800x8xf32, #tpu.memory_space<hbm>>) target(%arg10 : memref<256x8xf32, #tpu.memory_space<vmem>>) offsets(%dma_start3A_192 : memref<256xi32, #tpu.memory_space<vmem>>) semaphore(%arg13 : memref<!tpu.dma_semaphore, #tpu.memory_space<semaphore_mem>>)
      } else {
      }
    }
    %scan3A_25 = arith.constant 98 : i32
    %barrier3A_26 = arith.constant 0 : index
    tpu.barrier barrier_id(%barrier3A_26)
    %mul3A_27 = arith.constant 3200 : i32
    %mul3A_28 = arith.muli %arg1, %mul3A_27 : i32
    %mul3A_29 = arith.constant 3200 : i32
    %mul3A_30 = arith.muli %arg1, %mul3A_29 : i32
    "tpu.region"() ({
      %run_scoped3A = tpu.sem_alloc : memref<!tpu.dma_semaphore, #tpu.memory_space<semaphore_mem>>
      %dma_start3A_139 = arith.constant 0 : i32
      %dma_start3A_140 = tpu.memref_slice %arg6[%add3A_1, %mul3A_30, %dma_start3A_139] : memref<8x51200x8xf32, #tpu.memory_space<hbm>> -> memref<1x3200x8xf32, #tpu.memory_space<hbm>>
      %dma_start3A_141 = tpu.memref_squeeze %dma_start3A_140 : memref<1x3200x8xf32, #tpu.memory_space<hbm>> -> memref<3200x8xf32, #tpu.memory_space<hbm>>
      %dma_start3A_142 = arith.constant 0 : i32
      %dma_start3A_143 = tpu.memref_slice %arg11[%mul3A_28, %dma_start3A_142] : memref<51200x8xf32, #tpu.memory_space<vmem_shared>> -> memref<3200x8xf32, #tpu.memory_space<vmem_shared>>
      tpu.enqueue_dma source(%dma_start3A_143 : memref<3200x8xf32, #tpu.memory_space<vmem_shared>>) target(%dma_start3A_141 : memref<3200x8xf32, #tpu.memory_space<hbm>>) target_semaphore(%run_scoped3A : memref<!tpu.dma_semaphore, #tpu.memory_space<semaphore_mem>>)
      %dma_wait3A = arith.constant 0 : i32
      %dma_wait3A_144 = tpu.memref_slice %arg6[%add3A_1, %mul3A_30, %dma_wait3A] : memref<8x51200x8xf32, #tpu.memory_space<hbm>> -> memref<1x3200x8xf32, #tpu.memory_space<hbm>>
      %dma_wait3A_145 = tpu.memref_squeeze %dma_wait3A_144 : memref<1x3200x8xf32, #tpu.memory_space<hbm>> -> memref<3200x8xf32, #tpu.memory_space<hbm>>
      %dma_wait3A_146 = arith.constant 0 : i32
      %dma_wait3A_147 = tpu.memref_slice %arg11[%mul3A_28, %dma_wait3A_146] : memref<51200x8xf32, #tpu.memory_space<vmem_shared>> -> memref<3200x8xf32, #tpu.memory_space<vmem_shared>>
      tpu.wait_dma2 semaphore(%run_scoped3A : memref<!tpu.dma_semaphore, #tpu.memory_space<semaphore_mem>>) src(%dma_wait3A_147 : memref<3200x8xf32, #tpu.memory_space<vmem_shared>>) dst(%dma_wait3A_145 : memref<3200x8xf32, #tpu.memory_space<hbm>>)
      tpu.yield
    }) : () -> ()
    %mul3A_31 = arith.constant 4 : i32
    %mul3A_32 = arith.muli %mul3A_31, %arg0 : i32
    %add3A_33 = arith.constant 1 : i32
    %add3A_34 = arith.addi %mul3A_32, %add3A_33 : i32
    %mul3A_35 = arith.constant 3200 : i32
    %mul3A_36 = arith.muli %arg1, %mul3A_35 : i32
    "tpu.region"() ({
      %run_scoped3A = tpu.sem_alloc : memref<!tpu.dma_semaphore, #tpu.memory_space<semaphore_mem>>
      %dma_start3A_139 = arith.constant 0 : i32
      %dma_start3A_140 = tpu.memref_slice %arg11[%mul3A_36, %dma_start3A_139] : memref<51200x8xf32, #tpu.memory_space<vmem_shared>> -> memref<3200x8xf32, #tpu.memory_space<vmem_shared>>
      tpu.enqueue_dma source(%arg5 : memref<3200x8xf32, #tpu.memory_space<hbm>>) target(%dma_start3A_140 : memref<3200x8xf32, #tpu.memory_space<vmem_shared>>) target_semaphore(%run_scoped3A : memref<!tpu.dma_semaphore, #tpu.memory_space<semaphore_mem>>)
      %dma_wait3A = arith.constant 0 : i32
      %dma_wait3A_141 = tpu.memref_slice %arg11[%mul3A_36, %dma_wait3A] : memref<51200x8xf32, #tpu.memory_space<vmem_shared>> -> memref<3200x8xf32, #tpu.memory_space<vmem_shared>>
      tpu.wait_dma2 semaphore(%run_scoped3A : memref<!tpu.dma_semaphore, #tpu.memory_space<semaphore_mem>>) src(%arg5 : memref<3200x8xf32, #tpu.memory_space<hbm>>) dst(%dma_wait3A_141 : memref<3200x8xf32, #tpu.memory_space<vmem_shared>>)
      tpu.yield
    }) : () -> ()
    %barrier3A_37 = arith.constant 0 : index
    tpu.barrier barrier_id(%barrier3A_37)
    %mul3A_38 = arith.constant 204800 : i32
    %mul3A_39 = arith.muli %arg0, %mul3A_38 : i32
    %add3A_40 = arith.constant 16 : i32
    %add3A_41 = arith.addi %mul3A_39, %add3A_40 : i32
    %dma_start3A_42 = arith.constant 0 : i32
    %dma_start3A_43 = tpu.memref_slice %arg7[%dma_start3A_42] : memref<50176xi32, #tpu.memory_space<vmem>> -> memref<256xi32, #tpu.memory_space<vmem>>
    %dma_start3A_44 = arith.constant 0 : i32
    %dma_start3A_45 = tpu.memref_slice %arg4[%add3A_41, %dma_start3A_44] : memref<409600x8xf32, #tpu.memory_space<hbm>> -> memref<204800x8xf32, #tpu.memory_space<hbm>>
    %dma_start3A_46 = arith.constant 0 : i32
    %dma_start3A_47 = arith.constant 0 : i32
    %dma_start3A_48 = tpu.memref_slice %dma_start3A_45[%dma_start3A_46, %dma_start3A_47] : memref<204800x8xf32, #tpu.memory_space<hbm>> -> memref<204800x8xf32, #tpu.memory_space<hbm>>
    tpu.enqueue_indirect_dma source(%dma_start3A_48 : memref<204800x8xf32, #tpu.memory_space<hbm>>) target(%arg9 : memref<256x8xf32, #tpu.memory_space<vmem>>) offsets(%dma_start3A_43 : memref<256xi32, #tpu.memory_space<vmem>>) semaphore(%arg12 : memref<!tpu.dma_semaphore, #tpu.memory_space<semaphore_mem>>)
    %dma_start3A_49 = arith.constant 256 : i32
    %dma_start3A_50 = tpu.memref_slice %arg7[%dma_start3A_49] : memref<50176xi32, #tpu.memory_space<vmem>> -> memref<256xi32, #tpu.memory_space<vmem>>
    %dma_start3A_51 = arith.constant 0 : i32
    %dma_start3A_52 = tpu.memref_slice %arg4[%add3A_41, %dma_start3A_51] : memref<409600x8xf32, #tpu.memory_space<hbm>> -> memref<204800x8xf32, #tpu.memory_space<hbm>>
    %dma_start3A_53 = arith.constant 0 : i32
    %dma_start3A_54 = arith.constant 0 : i32
    %dma_start3A_55 = tpu.memref_slice %dma_start3A_52[%dma_start3A_53, %dma_start3A_54] : memref<204800x8xf32, #tpu.memory_space<hbm>> -> memref<204800x8xf32, #tpu.memory_space<hbm>>
    tpu.enqueue_indirect_dma source(%dma_start3A_55 : memref<204800x8xf32, #tpu.memory_space<hbm>>) target(%arg10 : memref<256x8xf32, #tpu.memory_space<vmem>>) offsets(%dma_start3A_50 : memref<256xi32, #tpu.memory_space<vmem>>) semaphore(%arg13 : memref<!tpu.dma_semaphore, #tpu.memory_space<semaphore_mem>>)
    %scan3A_56 = arith.constant 0 : i32
    %scan3A_57 = arith.constant 0 : i32
    %scan3A_58 = arith.constant 98 : i32
    %scan3A_59 = arith.addi %scan3A_57, %scan3A_58 : i32
    %scan3A_60 = arith.constant 1 : i32
    scf.for %scan3A_139 = %scan3A_57 to %scan3A_59 step %scan3A_60  : i32 {
      %mul3A_140 = arith.constant 2 : i32
      %mul3A_141 = arith.muli %mul3A_140, %scan3A_139 : i32
      %mul3A_142 = arith.constant 2 : i32
      %mul3A_143 = arith.muli %mul3A_142, %scan3A_139 : i32
      %add3A_144 = arith.constant 1 : i32
      %add3A_145 = arith.addi %mul3A_143, %add3A_144 : i32
      %mul3A_146 = arith.constant 256 : i32
      %mul3A_147 = arith.muli %mul3A_141, %mul3A_146 : i32
      %mul3A_148 = arith.constant 256 : i32
      %mul3A_149 = arith.muli %add3A_145, %mul3A_148 : i32
      %mul3A_150 = arith.constant 256 : i32
      %mul3A_151 = arith.muli %mul3A_141, %mul3A_150 : i32
      %mul3A_152 = arith.constant 256 : i32
      %mul3A_153 = arith.muli %add3A_145, %mul3A_152 : i32
      %dma_wait3A = tpu.memref_slice %arg7[%mul3A_147] : memref<50176xi32, #tpu.memory_space<vmem>> -> memref<256xi32, #tpu.memory_space<vmem>>
      %dma_wait3A_154 = arith.constant 0 : i32
      %dma_wait3A_155 = tpu.memref_slice %arg4[%add3A_41, %dma_wait3A_154] : memref<409600x8xf32, #tpu.memory_space<hbm>> -> memref<204800x8xf32, #tpu.memory_space<hbm>>
      %dma_wait3A_156 = arith.constant 0 : i32
      %dma_wait3A_157 = arith.constant 0 : i32
      %dma_wait3A_158 = tpu.memref_slice %dma_wait3A_155[%dma_wait3A_156, %dma_wait3A_157] : memref<204800x8xf32, #tpu.memory_space<hbm>> -> memref<204800x8xf32, #tpu.memory_space<hbm>>
      tpu.wait_indirect_dma semaphore(%arg12 : memref<!tpu.dma_semaphore, #tpu.memory_space<semaphore_mem>>) src(%dma_wait3A_158 : memref<204800x8xf32, #tpu.memory_space<hbm>>) dst(%arg9 : memref<256x8xf32, #tpu.memory_space<vmem>>)
      %dma_start3A_159 = tpu.memref_slice %arg8[%mul3A_151] : memref<50176xi32, #tpu.memory_space<vmem>> -> memref<256xi32, #tpu.memory_space<vmem>>
      %dma_start3A_160 = arith.constant 0 : i32
      %dma_start3A_161 = arith.constant 0 : i32
      %dma_start3A_162 = tpu.memref_slice %arg11[%dma_start3A_160, %dma_start3A_161] : memref<51200x8xf32, #tpu.memory_space<vmem_shared>> -> memref<51200x8xf32, #tpu.memory_space<vmem_shared>>
      tpu.enqueue_indirect_dma source(%arg9 : memref<256x8xf32, #tpu.memory_space<vmem>>) target(%dma_start3A_162 : memref<51200x8xf32, #tpu.memory_space<vmem_shared>>) offsets(%dma_start3A_159 : memref<256xi32, #tpu.memory_space<vmem>>) semaphore(%arg14 : memref<!tpu.dma_semaphore, #tpu.memory_space<semaphore_mem>>) {add = true}
      %dma_wait3A_163 = tpu.memref_slice %arg7[%mul3A_149] : memref<50176xi32, #tpu.memory_space<vmem>> -> memref<256xi32, #tpu.memory_space<vmem>>
      %dma_wait3A_164 = arith.constant 0 : i32
      %dma_wait3A_165 = tpu.memref_slice %arg4[%add3A_41, %dma_wait3A_164] : memref<409600x8xf32, #tpu.memory_space<hbm>> -> memref<204800x8xf32, #tpu.memory_space<hbm>>
      %dma_wait3A_166 = arith.constant 0 : i32
      %dma_wait3A_167 = arith.constant 0 : i32
      %dma_wait3A_168 = tpu.memref_slice %dma_wait3A_165[%dma_wait3A_166, %dma_wait3A_167] : memref<204800x8xf32, #tpu.memory_space<hbm>> -> memref<204800x8xf32, #tpu.memory_space<hbm>>
      tpu.wait_indirect_dma semaphore(%arg13 : memref<!tpu.dma_semaphore, #tpu.memory_space<semaphore_mem>>) src(%dma_wait3A_168 : memref<204800x8xf32, #tpu.memory_space<hbm>>) dst(%arg10 : memref<256x8xf32, #tpu.memory_space<vmem>>)
      %dma_start3A_169 = tpu.memref_slice %arg8[%mul3A_153] : memref<50176xi32, #tpu.memory_space<vmem>> -> memref<256xi32, #tpu.memory_space<vmem>>
      %dma_start3A_170 = arith.constant 0 : i32
      %dma_start3A_171 = arith.constant 0 : i32
      %dma_start3A_172 = tpu.memref_slice %arg11[%dma_start3A_170, %dma_start3A_171] : memref<51200x8xf32, #tpu.memory_space<vmem_shared>> -> memref<51200x8xf32, #tpu.memory_space<vmem_shared>>
      tpu.enqueue_indirect_dma source(%arg10 : memref<256x8xf32, #tpu.memory_space<vmem>>) target(%dma_start3A_172 : memref<51200x8xf32, #tpu.memory_space<vmem_shared>>) offsets(%dma_start3A_169 : memref<256xi32, #tpu.memory_space<vmem>>) semaphore(%arg15 : memref<!tpu.dma_semaphore, #tpu.memory_space<semaphore_mem>>) {add = true}
      %dma_wait3A_173 = tpu.memref_slice %arg8[%mul3A_151] : memref<50176xi32, #tpu.memory_space<vmem>> -> memref<256xi32, #tpu.memory_space<vmem>>
      %dma_wait3A_174 = arith.constant 0 : i32
      %dma_wait3A_175 = arith.constant 0 : i32
      %dma_wait3A_176 = tpu.memref_slice %arg11[%dma_wait3A_174, %dma_wait3A_175] : memref<51200x8xf32, #tpu.memory_space<vmem_shared>> -> memref<51200x8xf32, #tpu.memory_space<vmem_shared>>
      tpu.wait_indirect_dma semaphore(%arg14 : memref<!tpu.dma_semaphore, #tpu.memory_space<semaphore_mem>>) src(%arg9 : memref<256x8xf32, #tpu.memory_space<vmem>>) dst(%dma_wait3A_176 : memref<51200x8xf32, #tpu.memory_space<vmem_shared>>)
      %lt3A = arith.constant 97 : i32
      %lt3A_177 = arith.cmpi slt, %scan3A_139, %lt3A : i32
      %convert_element_type3A = arith.extui %lt3A_177 : i1 to i32
      %cond3A = arith.constant 0 : i32
      %cond3A_178 = arith.cmpi ne, %convert_element_type3A, %cond3A : i32
      scf.if %cond3A_178 {
        %add3A_188 = arith.constant 2 : i32
        %add3A_189 = arith.addi %mul3A_141, %add3A_188 : i32
        %mul3A_190 = arith.constant 256 : i32
        %mul3A_191 = arith.muli %add3A_189, %mul3A_190 : i32
        %dma_start3A_192 = tpu.memref_slice %arg7[%mul3A_191] : memref<50176xi32, #tpu.memory_space<vmem>> -> memref<256xi32, #tpu.memory_space<vmem>>
        %dma_start3A_193 = arith.constant 0 : i32
        %dma_start3A_194 = tpu.memref_slice %arg4[%add3A_41, %dma_start3A_193] : memref<409600x8xf32, #tpu.memory_space<hbm>> -> memref<204800x8xf32, #tpu.memory_space<hbm>>
        %dma_start3A_195 = arith.constant 0 : i32
        %dma_start3A_196 = arith.constant 0 : i32
        %dma_start3A_197 = tpu.memref_slice %dma_start3A_194[%dma_start3A_195, %dma_start3A_196] : memref<204800x8xf32, #tpu.memory_space<hbm>> -> memref<204800x8xf32, #tpu.memory_space<hbm>>
        tpu.enqueue_indirect_dma source(%dma_start3A_197 : memref<204800x8xf32, #tpu.memory_space<hbm>>) target(%arg9 : memref<256x8xf32, #tpu.memory_space<vmem>>) offsets(%dma_start3A_192 : memref<256xi32, #tpu.memory_space<vmem>>) semaphore(%arg12 : memref<!tpu.dma_semaphore, #tpu.memory_space<semaphore_mem>>)
      } else {
      }
      %dma_wait3A_179 = tpu.memref_slice %arg8[%mul3A_153] : memref<50176xi32, #tpu.memory_space<vmem>> -> memref<256xi32, #tpu.memory_space<vmem>>
      %dma_wait3A_180 = arith.constant 0 : i32
      %dma_wait3A_181 = arith.constant 0 : i32
      %dma_wait3A_182 = tpu.memref_slice %arg11[%dma_wait3A_180, %dma_wait3A_181] : memref<51200x8xf32, #tpu.memory_space<vmem_shared>> -> memref<51200x8xf32, #tpu.memory_space<vmem_shared>>
      tpu.wait_indirect_dma semaphore(%arg15 : memref<!tpu.dma_semaphore, #tpu.memory_space<semaphore_mem>>) src(%arg10 : memref<256x8xf32, #tpu.memory_space<vmem>>) dst(%dma_wait3A_182 : memref<51200x8xf32, #tpu.memory_space<vmem_shared>>)
      %lt3A_183 = arith.constant 97 : i32
      %lt3A_184 = arith.cmpi slt, %scan3A_139, %lt3A_183 : i32
      %convert_element_type3A_185 = arith.extui %lt3A_184 : i1 to i32
      %cond3A_186 = arith.constant 0 : i32
      %cond3A_187 = arith.cmpi ne, %convert_element_type3A_185, %cond3A_186 : i32
      scf.if %cond3A_187 {
        %add3A_188 = arith.constant 2 : i32
        %add3A_189 = arith.addi %add3A_145, %add3A_188 : i32
        %mul3A_190 = arith.constant 256 : i32
        %mul3A_191 = arith.muli %add3A_189, %mul3A_190 : i32
        %dma_start3A_192 = tpu.memref_slice %arg7[%mul3A_191] : memref<50176xi32, #tpu.memory_space<vmem>> -> memref<256xi32, #tpu.memory_space<vmem>>
        %dma_start3A_193 = arith.constant 0 : i32
        %dma_start3A_194 = tpu.memref_slice %arg4[%add3A_41, %dma_start3A_193] : memref<409600x8xf32, #tpu.memory_space<hbm>> -> memref<204800x8xf32, #tpu.memory_space<hbm>>
        %dma_start3A_195 = arith.constant 0 : i32
        %dma_start3A_196 = arith.constant 0 : i32
        %dma_start3A_197 = tpu.memref_slice %dma_start3A_194[%dma_start3A_195, %dma_start3A_196] : memref<204800x8xf32, #tpu.memory_space<hbm>> -> memref<204800x8xf32, #tpu.memory_space<hbm>>
        tpu.enqueue_indirect_dma source(%dma_start3A_197 : memref<204800x8xf32, #tpu.memory_space<hbm>>) target(%arg10 : memref<256x8xf32, #tpu.memory_space<vmem>>) offsets(%dma_start3A_192 : memref<256xi32, #tpu.memory_space<vmem>>) semaphore(%arg13 : memref<!tpu.dma_semaphore, #tpu.memory_space<semaphore_mem>>)
      } else {
      }
    }
    %scan3A_61 = arith.constant 98 : i32
    %barrier3A_62 = arith.constant 0 : index
    tpu.barrier barrier_id(%barrier3A_62)
    %mul3A_63 = arith.constant 3200 : i32
    %mul3A_64 = arith.muli %arg1, %mul3A_63 : i32
    %mul3A_65 = arith.constant 3200 : i32
    %mul3A_66 = arith.muli %arg1, %mul3A_65 : i32
    "tpu.region"() ({
      %run_scoped3A = tpu.sem_alloc : memref<!tpu.dma_semaphore, #tpu.memory_space<semaphore_mem>>
      %dma_start3A_139 = arith.constant 0 : i32
      %dma_start3A_140 = tpu.memref_slice %arg6[%add3A_34, %mul3A_66, %dma_start3A_139] : memref<8x51200x8xf32, #tpu.memory_space<hbm>> -> memref<1x3200x8xf32, #tpu.memory_space<hbm>>
      %dma_start3A_141 = tpu.memref_squeeze %dma_start3A_140 : memref<1x3200x8xf32, #tpu.memory_space<hbm>> -> memref<3200x8xf32, #tpu.memory_space<hbm>>
      %dma_start3A_142 = arith.constant 0 : i32
      %dma_start3A_143 = tpu.memref_slice %arg11[%mul3A_64, %dma_start3A_142] : memref<51200x8xf32, #tpu.memory_space<vmem_shared>> -> memref<3200x8xf32, #tpu.memory_space<vmem_shared>>
      tpu.enqueue_dma source(%dma_start3A_143 : memref<3200x8xf32, #tpu.memory_space<vmem_shared>>) target(%dma_start3A_141 : memref<3200x8xf32, #tpu.memory_space<hbm>>) target_semaphore(%run_scoped3A : memref<!tpu.dma_semaphore, #tpu.memory_space<semaphore_mem>>)
      %dma_wait3A = arith.constant 0 : i32
      %dma_wait3A_144 = tpu.memref_slice %arg6[%add3A_34, %mul3A_66, %dma_wait3A] : memref<8x51200x8xf32, #tpu.memory_space<hbm>> -> memref<1x3200x8xf32, #tpu.memory_space<hbm>>
      %dma_wait3A_145 = tpu.memref_squeeze %dma_wait3A_144 : memref<1x3200x8xf32, #tpu.memory_space<hbm>> -> memref<3200x8xf32, #tpu.memory_space<hbm>>
      %dma_wait3A_146 = arith.constant 0 : i32
      %dma_wait3A_147 = tpu.memref_slice %arg11[%mul3A_64, %dma_wait3A_146] : memref<51200x8xf32, #tpu.memory_space<vmem_shared>> -> memref<3200x8xf32, #tpu.memory_space<vmem_shared>>
      tpu.wait_dma2 semaphore(%run_scoped3A : memref<!tpu.dma_semaphore, #tpu.memory_space<semaphore_mem>>) src(%dma_wait3A_147 : memref<3200x8xf32, #tpu.memory_space<vmem_shared>>) dst(%dma_wait3A_145 : memref<3200x8xf32, #tpu.memory_space<hbm>>)
      tpu.yield
    }) : () -> ()
    %mul3A_67 = arith.constant 4 : i32
    %mul3A_68 = arith.muli %mul3A_67, %arg0 : i32
    %add3A_69 = arith.constant 2 : i32
    %add3A_70 = arith.addi %mul3A_68, %add3A_69 : i32
    %mul3A_71 = arith.constant 3200 : i32
    %mul3A_72 = arith.muli %arg1, %mul3A_71 : i32
    "tpu.region"() ({
      %run_scoped3A = tpu.sem_alloc : memref<!tpu.dma_semaphore, #tpu.memory_space<semaphore_mem>>
      %dma_start3A_139 = arith.constant 0 : i32
      %dma_start3A_140 = tpu.memref_slice %arg11[%mul3A_72, %dma_start3A_139] : memref<51200x8xf32, #tpu.memory_space<vmem_shared>> -> memref<3200x8xf32, #tpu.memory_space<vmem_shared>>
      tpu.enqueue_dma source(%arg5 : memref<3200x8xf32, #tpu.memory_space<hbm>>) target(%dma_start3A_140 : memref<3200x8xf32, #tpu.memory_space<vmem_shared>>) target_semaphore(%run_scoped3A : memref<!tpu.dma_semaphore, #tpu.memory_space<semaphore_mem>>)
      %dma_wait3A = arith.constant 0 : i32
      %dma_wait3A_141 = tpu.memref_slice %arg11[%mul3A_72, %dma_wait3A] : memref<51200x8xf32, #tpu.memory_space<vmem_shared>> -> memref<3200x8xf32, #tpu.memory_space<vmem_shared>>
      tpu.wait_dma2 semaphore(%run_scoped3A : memref<!tpu.dma_semaphore, #tpu.memory_space<semaphore_mem>>) src(%arg5 : memref<3200x8xf32, #tpu.memory_space<hbm>>) dst(%dma_wait3A_141 : memref<3200x8xf32, #tpu.memory_space<vmem_shared>>)
      tpu.yield
    }) : () -> ()
    %barrier3A_73 = arith.constant 0 : index
    tpu.barrier barrier_id(%barrier3A_73)
    %mul3A_74 = arith.constant 204800 : i32
    %mul3A_75 = arith.muli %arg0, %mul3A_74 : i32
    %add3A_76 = arith.constant 32 : i32
    %add3A_77 = arith.addi %mul3A_75, %add3A_76 : i32
    %dma_start3A_78 = arith.constant 0 : i32
    %dma_start3A_79 = tpu.memref_slice %arg7[%dma_start3A_78] : memref<50176xi32, #tpu.memory_space<vmem>> -> memref<256xi32, #tpu.memory_space<vmem>>
    %dma_start3A_80 = arith.constant 0 : i32
    %dma_start3A_81 = tpu.memref_slice %arg4[%add3A_77, %dma_start3A_80] : memref<409600x8xf32, #tpu.memory_space<hbm>> -> memref<204800x8xf32, #tpu.memory_space<hbm>>
    %dma_start3A_82 = arith.constant 0 : i32
    %dma_start3A_83 = arith.constant 0 : i32
    %dma_start3A_84 = tpu.memref_slice %dma_start3A_81[%dma_start3A_82, %dma_start3A_83] : memref<204800x8xf32, #tpu.memory_space<hbm>> -> memref<204800x8xf32, #tpu.memory_space<hbm>>
    tpu.enqueue_indirect_dma source(%dma_start3A_84 : memref<204800x8xf32, #tpu.memory_space<hbm>>) target(%arg9 : memref<256x8xf32, #tpu.memory_space<vmem>>) offsets(%dma_start3A_79 : memref<256xi32, #tpu.memory_space<vmem>>) semaphore(%arg12 : memref<!tpu.dma_semaphore, #tpu.memory_space<semaphore_mem>>)
    %dma_start3A_85 = arith.constant 256 : i32
    %dma_start3A_86 = tpu.memref_slice %arg7[%dma_start3A_85] : memref<50176xi32, #tpu.memory_space<vmem>> -> memref<256xi32, #tpu.memory_space<vmem>>
    %dma_start3A_87 = arith.constant 0 : i32
    %dma_start3A_88 = tpu.memref_slice %arg4[%add3A_77, %dma_start3A_87] : memref<409600x8xf32, #tpu.memory_space<hbm>> -> memref<204800x8xf32, #tpu.memory_space<hbm>>
    %dma_start3A_89 = arith.constant 0 : i32
    %dma_start3A_90 = arith.constant 0 : i32
    %dma_start3A_91 = tpu.memref_slice %dma_start3A_88[%dma_start3A_89, %dma_start3A_90] : memref<204800x8xf32, #tpu.memory_space<hbm>> -> memref<204800x8xf32, #tpu.memory_space<hbm>>
    tpu.enqueue_indirect_dma source(%dma_start3A_91 : memref<204800x8xf32, #tpu.memory_space<hbm>>) target(%arg10 : memref<256x8xf32, #tpu.memory_space<vmem>>) offsets(%dma_start3A_86 : memref<256xi32, #tpu.memory_space<vmem>>) semaphore(%arg13 : memref<!tpu.dma_semaphore, #tpu.memory_space<semaphore_mem>>)
    %scan3A_92 = arith.constant 0 : i32
    %scan3A_93 = arith.constant 0 : i32
    %scan3A_94 = arith.constant 98 : i32
    %scan3A_95 = arith.addi %scan3A_93, %scan3A_94 : i32
    %scan3A_96 = arith.constant 1 : i32
    scf.for %scan3A_139 = %scan3A_93 to %scan3A_95 step %scan3A_96  : i32 {
      %mul3A_140 = arith.constant 2 : i32
      %mul3A_141 = arith.muli %mul3A_140, %scan3A_139 : i32
      %mul3A_142 = arith.constant 2 : i32
      %mul3A_143 = arith.muli %mul3A_142, %scan3A_139 : i32
      %add3A_144 = arith.constant 1 : i32
      %add3A_145 = arith.addi %mul3A_143, %add3A_144 : i32
      %mul3A_146 = arith.constant 256 : i32
      %mul3A_147 = arith.muli %mul3A_141, %mul3A_146 : i32
      %mul3A_148 = arith.constant 256 : i32
      %mul3A_149 = arith.muli %add3A_145, %mul3A_148 : i32
      %mul3A_150 = arith.constant 256 : i32
      %mul3A_151 = arith.muli %mul3A_141, %mul3A_150 : i32
      %mul3A_152 = arith.constant 256 : i32
      %mul3A_153 = arith.muli %add3A_145, %mul3A_152 : i32
      %dma_wait3A = tpu.memref_slice %arg7[%mul3A_147] : memref<50176xi32, #tpu.memory_space<vmem>> -> memref<256xi32, #tpu.memory_space<vmem>>
      %dma_wait3A_154 = arith.constant 0 : i32
      %dma_wait3A_155 = tpu.memref_slice %arg4[%add3A_77, %dma_wait3A_154] : memref<409600x8xf32, #tpu.memory_space<hbm>> -> memref<204800x8xf32, #tpu.memory_space<hbm>>
      %dma_wait3A_156 = arith.constant 0 : i32
      %dma_wait3A_157 = arith.constant 0 : i32
      %dma_wait3A_158 = tpu.memref_slice %dma_wait3A_155[%dma_wait3A_156, %dma_wait3A_157] : memref<204800x8xf32, #tpu.memory_space<hbm>> -> memref<204800x8xf32, #tpu.memory_space<hbm>>
      tpu.wait_indirect_dma semaphore(%arg12 : memref<!tpu.dma_semaphore, #tpu.memory_space<semaphore_mem>>) src(%dma_wait3A_158 : memref<204800x8xf32, #tpu.memory_space<hbm>>) dst(%arg9 : memref<256x8xf32, #tpu.memory_space<vmem>>)
      %dma_start3A_159 = tpu.memref_slice %arg8[%mul3A_151] : memref<50176xi32, #tpu.memory_space<vmem>> -> memref<256xi32, #tpu.memory_space<vmem>>
      %dma_start3A_160 = arith.constant 0 : i32
      %dma_start3A_161 = arith.constant 0 : i32
      %dma_start3A_162 = tpu.memref_slice %arg11[%dma_start3A_160, %dma_start3A_161] : memref<51200x8xf32, #tpu.memory_space<vmem_shared>> -> memref<51200x8xf32, #tpu.memory_space<vmem_shared>>
      tpu.enqueue_indirect_dma source(%arg9 : memref<256x8xf32, #tpu.memory_space<vmem>>) target(%dma_start3A_162 : memref<51200x8xf32, #tpu.memory_space<vmem_shared>>) offsets(%dma_start3A_159 : memref<256xi32, #tpu.memory_space<vmem>>) semaphore(%arg14 : memref<!tpu.dma_semaphore, #tpu.memory_space<semaphore_mem>>) {add = true}
      %dma_wait3A_163 = tpu.memref_slice %arg7[%mul3A_149] : memref<50176xi32, #tpu.memory_space<vmem>> -> memref<256xi32, #tpu.memory_space<vmem>>
      %dma_wait3A_164 = arith.constant 0 : i32
      %dma_wait3A_165 = tpu.memref_slice %arg4[%add3A_77, %dma_wait3A_164] : memref<409600x8xf32, #tpu.memory_space<hbm>> -> memref<204800x8xf32, #tpu.memory_space<hbm>>
      %dma_wait3A_166 = arith.constant 0 : i32
      %dma_wait3A_167 = arith.constant 0 : i32
      %dma_wait3A_168 = tpu.memref_slice %dma_wait3A_165[%dma_wait3A_166, %dma_wait3A_167] : memref<204800x8xf32, #tpu.memory_space<hbm>> -> memref<204800x8xf32, #tpu.memory_space<hbm>>
      tpu.wait_indirect_dma semaphore(%arg13 : memref<!tpu.dma_semaphore, #tpu.memory_space<semaphore_mem>>) src(%dma_wait3A_168 : memref<204800x8xf32, #tpu.memory_space<hbm>>) dst(%arg10 : memref<256x8xf32, #tpu.memory_space<vmem>>)
      %dma_start3A_169 = tpu.memref_slice %arg8[%mul3A_153] : memref<50176xi32, #tpu.memory_space<vmem>> -> memref<256xi32, #tpu.memory_space<vmem>>
      %dma_start3A_170 = arith.constant 0 : i32
      %dma_start3A_171 = arith.constant 0 : i32
      %dma_start3A_172 = tpu.memref_slice %arg11[%dma_start3A_170, %dma_start3A_171] : memref<51200x8xf32, #tpu.memory_space<vmem_shared>> -> memref<51200x8xf32, #tpu.memory_space<vmem_shared>>
      tpu.enqueue_indirect_dma source(%arg10 : memref<256x8xf32, #tpu.memory_space<vmem>>) target(%dma_start3A_172 : memref<51200x8xf32, #tpu.memory_space<vmem_shared>>) offsets(%dma_start3A_169 : memref<256xi32, #tpu.memory_space<vmem>>) semaphore(%arg15 : memref<!tpu.dma_semaphore, #tpu.memory_space<semaphore_mem>>) {add = true}
      %dma_wait3A_173 = tpu.memref_slice %arg8[%mul3A_151] : memref<50176xi32, #tpu.memory_space<vmem>> -> memref<256xi32, #tpu.memory_space<vmem>>
      %dma_wait3A_174 = arith.constant 0 : i32
      %dma_wait3A_175 = arith.constant 0 : i32
      %dma_wait3A_176 = tpu.memref_slice %arg11[%dma_wait3A_174, %dma_wait3A_175] : memref<51200x8xf32, #tpu.memory_space<vmem_shared>> -> memref<51200x8xf32, #tpu.memory_space<vmem_shared>>
      tpu.wait_indirect_dma semaphore(%arg14 : memref<!tpu.dma_semaphore, #tpu.memory_space<semaphore_mem>>) src(%arg9 : memref<256x8xf32, #tpu.memory_space<vmem>>) dst(%dma_wait3A_176 : memref<51200x8xf32, #tpu.memory_space<vmem_shared>>)
      %lt3A = arith.constant 97 : i32
      %lt3A_177 = arith.cmpi slt, %scan3A_139, %lt3A : i32
      %convert_element_type3A = arith.extui %lt3A_177 : i1 to i32
      %cond3A = arith.constant 0 : i32
      %cond3A_178 = arith.cmpi ne, %convert_element_type3A, %cond3A : i32
      scf.if %cond3A_178 {
        %add3A_188 = arith.constant 2 : i32
        %add3A_189 = arith.addi %mul3A_141, %add3A_188 : i32
        %mul3A_190 = arith.constant 256 : i32
        %mul3A_191 = arith.muli %add3A_189, %mul3A_190 : i32
        %dma_start3A_192 = tpu.memref_slice %arg7[%mul3A_191] : memref<50176xi32, #tpu.memory_space<vmem>> -> memref<256xi32, #tpu.memory_space<vmem>>
        %dma_start3A_193 = arith.constant 0 : i32
        %dma_start3A_194 = tpu.memref_slice %arg4[%add3A_77, %dma_start3A_193] : memref<409600x8xf32, #tpu.memory_space<hbm>> -> memref<204800x8xf32, #tpu.memory_space<hbm>>
        %dma_start3A_195 = arith.constant 0 : i32
        %dma_start3A_196 = arith.constant 0 : i32
        %dma_start3A_197 = tpu.memref_slice %dma_start3A_194[%dma_start3A_195, %dma_start3A_196] : memref<204800x8xf32, #tpu.memory_space<hbm>> -> memref<204800x8xf32, #tpu.memory_space<hbm>>
        tpu.enqueue_indirect_dma source(%dma_start3A_197 : memref<204800x8xf32, #tpu.memory_space<hbm>>) target(%arg9 : memref<256x8xf32, #tpu.memory_space<vmem>>) offsets(%dma_start3A_192 : memref<256xi32, #tpu.memory_space<vmem>>) semaphore(%arg12 : memref<!tpu.dma_semaphore, #tpu.memory_space<semaphore_mem>>)
      } else {
      }
      %dma_wait3A_179 = tpu.memref_slice %arg8[%mul3A_153] : memref<50176xi32, #tpu.memory_space<vmem>> -> memref<256xi32, #tpu.memory_space<vmem>>
      %dma_wait3A_180 = arith.constant 0 : i32
      %dma_wait3A_181 = arith.constant 0 : i32
      %dma_wait3A_182 = tpu.memref_slice %arg11[%dma_wait3A_180, %dma_wait3A_181] : memref<51200x8xf32, #tpu.memory_space<vmem_shared>> -> memref<51200x8xf32, #tpu.memory_space<vmem_shared>>
      tpu.wait_indirect_dma semaphore(%arg15 : memref<!tpu.dma_semaphore, #tpu.memory_space<semaphore_mem>>) src(%arg10 : memref<256x8xf32, #tpu.memory_space<vmem>>) dst(%dma_wait3A_182 : memref<51200x8xf32, #tpu.memory_space<vmem_shared>>)
      %lt3A_183 = arith.constant 97 : i32
      %lt3A_184 = arith.cmpi slt, %scan3A_139, %lt3A_183 : i32
      %convert_element_type3A_185 = arith.extui %lt3A_184 : i1 to i32
      %cond3A_186 = arith.constant 0 : i32
      %cond3A_187 = arith.cmpi ne, %convert_element_type3A_185, %cond3A_186 : i32
      scf.if %cond3A_187 {
        %add3A_188 = arith.constant 2 : i32
        %add3A_189 = arith.addi %add3A_145, %add3A_188 : i32
        %mul3A_190 = arith.constant 256 : i32
        %mul3A_191 = arith.muli %add3A_189, %mul3A_190 : i32
        %dma_start3A_192 = tpu.memref_slice %arg7[%mul3A_191] : memref<50176xi32, #tpu.memory_space<vmem>> -> memref<256xi32, #tpu.memory_space<vmem>>
        %dma_start3A_193 = arith.constant 0 : i32
        %dma_start3A_194 = tpu.memref_slice %arg4[%add3A_77, %dma_start3A_193] : memref<409600x8xf32, #tpu.memory_space<hbm>> -> memref<204800x8xf32, #tpu.memory_space<hbm>>
        %dma_start3A_195 = arith.constant 0 : i32
        %dma_start3A_196 = arith.constant 0 : i32
        %dma_start3A_197 = tpu.memref_slice %dma_start3A_194[%dma_start3A_195, %dma_start3A_196] : memref<204800x8xf32, #tpu.memory_space<hbm>> -> memref<204800x8xf32, #tpu.memory_space<hbm>>
        tpu.enqueue_indirect_dma source(%dma_start3A_197 : memref<204800x8xf32, #tpu.memory_space<hbm>>) target(%arg10 : memref<256x8xf32, #tpu.memory_space<vmem>>) offsets(%dma_start3A_192 : memref<256xi32, #tpu.memory_space<vmem>>) semaphore(%arg13 : memref<!tpu.dma_semaphore, #tpu.memory_space<semaphore_mem>>)
      } else {
      }
    }
    %scan3A_97 = arith.constant 98 : i32
    %barrier3A_98 = arith.constant 0 : index
    tpu.barrier barrier_id(%barrier3A_98)
    %mul3A_99 = arith.constant 3200 : i32
    %mul3A_100 = arith.muli %arg1, %mul3A_99 : i32
    %mul3A_101 = arith.constant 3200 : i32
    %mul3A_102 = arith.muli %arg1, %mul3A_101 : i32
    "tpu.region"() ({
      %run_scoped3A = tpu.sem_alloc : memref<!tpu.dma_semaphore, #tpu.memory_space<semaphore_mem>>
      %dma_start3A_139 = arith.constant 0 : i32
      %dma_start3A_140 = tpu.memref_slice %arg6[%add3A_70, %mul3A_102, %dma_start3A_139] : memref<8x51200x8xf32, #tpu.memory_space<hbm>> -> memref<1x3200x8xf32, #tpu.memory_space<hbm>>
      %dma_start3A_141 = tpu.memref_squeeze %dma_start3A_140 : memref<1x3200x8xf32, #tpu.memory_space<hbm>> -> memref<3200x8xf32, #tpu.memory_space<hbm>>
      %dma_start3A_142 = arith.constant 0 : i32
      %dma_start3A_143 = tpu.memref_slice %arg11[%mul3A_100, %dma_start3A_142] : memref<51200x8xf32, #tpu.memory_space<vmem_shared>> -> memref<3200x8xf32, #tpu.memory_space<vmem_shared>>
      tpu.enqueue_dma source(%dma_start3A_143 : memref<3200x8xf32, #tpu.memory_space<vmem_shared>>) target(%dma_start3A_141 : memref<3200x8xf32, #tpu.memory_space<hbm>>) target_semaphore(%run_scoped3A : memref<!tpu.dma_semaphore, #tpu.memory_space<semaphore_mem>>)
      %dma_wait3A = arith.constant 0 : i32
      %dma_wait3A_144 = tpu.memref_slice %arg6[%add3A_70, %mul3A_102, %dma_wait3A] : memref<8x51200x8xf32, #tpu.memory_space<hbm>> -> memref<1x3200x8xf32, #tpu.memory_space<hbm>>
      %dma_wait3A_145 = tpu.memref_squeeze %dma_wait3A_144 : memref<1x3200x8xf32, #tpu.memory_space<hbm>> -> memref<3200x8xf32, #tpu.memory_space<hbm>>
      %dma_wait3A_146 = arith.constant 0 : i32
      %dma_wait3A_147 = tpu.memref_slice %arg11[%mul3A_100, %dma_wait3A_146] : memref<51200x8xf32, #tpu.memory_space<vmem_shared>> -> memref<3200x8xf32, #tpu.memory_space<vmem_shared>>
      tpu.wait_dma2 semaphore(%run_scoped3A : memref<!tpu.dma_semaphore, #tpu.memory_space<semaphore_mem>>) src(%dma_wait3A_147 : memref<3200x8xf32, #tpu.memory_space<vmem_shared>>) dst(%dma_wait3A_145 : memref<3200x8xf32, #tpu.memory_space<hbm>>)
      tpu.yield
    }) : () -> ()
    %mul3A_103 = arith.constant 4 : i32
    %mul3A_104 = arith.muli %mul3A_103, %arg0 : i32
    %add3A_105 = arith.constant 3 : i32
    %add3A_106 = arith.addi %mul3A_104, %add3A_105 : i32
    %mul3A_107 = arith.constant 3200 : i32
    %mul3A_108 = arith.muli %arg1, %mul3A_107 : i32
    "tpu.region"() ({
      %run_scoped3A = tpu.sem_alloc : memref<!tpu.dma_semaphore, #tpu.memory_space<semaphore_mem>>
      %dma_start3A_139 = arith.constant 0 : i32
      %dma_start3A_140 = tpu.memref_slice %arg11[%mul3A_108, %dma_start3A_139] : memref<51200x8xf32, #tpu.memory_space<vmem_shared>> -> memref<3200x8xf32, #tpu.memory_space<vmem_shared>>
      tpu.enqueue_dma source(%arg5 : memref<3200x8xf32, #tpu.memory_space<hbm>>) target(%dma_start3A_140 : memref<3200x8xf32, #tpu.memory_space<vmem_shared>>) target_semaphore(%run_scoped3A : memref<!tpu.dma_semaphore, #tpu.memory_space<semaphore_mem>>)
      %dma_wait3A = arith.constant 0 : i32
      %dma_wait3A_141 = tpu.memref_slice %arg11[%mul3A_108, %dma_wait3A] : memref<51200x8xf32, #tpu.memory_space<vmem_shared>> -> memref<3200x8xf32, #tpu.memory_space<vmem_shared>>
      tpu.wait_dma2 semaphore(%run_scoped3A : memref<!tpu.dma_semaphore, #tpu.memory_space<semaphore_mem>>) src(%arg5 : memref<3200x8xf32, #tpu.memory_space<hbm>>) dst(%dma_wait3A_141 : memref<3200x8xf32, #tpu.memory_space<vmem_shared>>)
      tpu.yield
    }) : () -> ()
    %barrier3A_109 = arith.constant 0 : index
    tpu.barrier barrier_id(%barrier3A_109)
    %mul3A_110 = arith.constant 204800 : i32
    %mul3A_111 = arith.muli %arg0, %mul3A_110 : i32
    %add3A_112 = arith.constant 48 : i32
    %add3A_113 = arith.addi %mul3A_111, %add3A_112 : i32
    %dma_start3A_114 = arith.constant 0 : i32
    %dma_start3A_115 = tpu.memref_slice %arg7[%dma_start3A_114] : memref<50176xi32, #tpu.memory_space<vmem>> -> memref<256xi32, #tpu.memory_space<vmem>>
    %dma_start3A_116 = arith.constant 0 : i32
    %dma_start3A_117 = tpu.memref_slice %arg4[%add3A_113, %dma_start3A_116] : memref<409600x8xf32, #tpu.memory_space<hbm>> -> memref<204800x8xf32, #tpu.memory_space<hbm>>
    %dma_start3A_118 = arith.constant 0 : i32
    %dma_start3A_119 = arith.constant 0 : i32
    %dma_start3A_120 = tpu.memref_slice %dma_start3A_117[%dma_start3A_118, %dma_start3A_119] : memref<204800x8xf32, #tpu.memory_space<hbm>> -> memref<204800x8xf32, #tpu.memory_space<hbm>>
    tpu.enqueue_indirect_dma source(%dma_start3A_120 : memref<204800x8xf32, #tpu.memory_space<hbm>>) target(%arg9 : memref<256x8xf32, #tpu.memory_space<vmem>>) offsets(%dma_start3A_115 : memref<256xi32, #tpu.memory_space<vmem>>) semaphore(%arg12 : memref<!tpu.dma_semaphore, #tpu.memory_space<semaphore_mem>>)
    %dma_start3A_121 = arith.constant 256 : i32
    %dma_start3A_122 = tpu.memref_slice %arg7[%dma_start3A_121] : memref<50176xi32, #tpu.memory_space<vmem>> -> memref<256xi32, #tpu.memory_space<vmem>>
    %dma_start3A_123 = arith.constant 0 : i32
    %dma_start3A_124 = tpu.memref_slice %arg4[%add3A_113, %dma_start3A_123] : memref<409600x8xf32, #tpu.memory_space<hbm>> -> memref<204800x8xf32, #tpu.memory_space<hbm>>
    %dma_start3A_125 = arith.constant 0 : i32
    %dma_start3A_126 = arith.constant 0 : i32
    %dma_start3A_127 = tpu.memref_slice %dma_start3A_124[%dma_start3A_125, %dma_start3A_126] : memref<204800x8xf32, #tpu.memory_space<hbm>> -> memref<204800x8xf32, #tpu.memory_space<hbm>>
    tpu.enqueue_indirect_dma source(%dma_start3A_127 : memref<204800x8xf32, #tpu.memory_space<hbm>>) target(%arg10 : memref<256x8xf32, #tpu.memory_space<vmem>>) offsets(%dma_start3A_122 : memref<256xi32, #tpu.memory_space<vmem>>) semaphore(%arg13 : memref<!tpu.dma_semaphore, #tpu.memory_space<semaphore_mem>>)
    %scan3A_128 = arith.constant 0 : i32
    %scan3A_129 = arith.constant 0 : i32
    %scan3A_130 = arith.constant 98 : i32
    %scan3A_131 = arith.addi %scan3A_129, %scan3A_130 : i32
    %scan3A_132 = arith.constant 1 : i32
    scf.for %scan3A_139 = %scan3A_129 to %scan3A_131 step %scan3A_132  : i32 {
      %mul3A_140 = arith.constant 2 : i32
      %mul3A_141 = arith.muli %mul3A_140, %scan3A_139 : i32
      %mul3A_142 = arith.constant 2 : i32
      %mul3A_143 = arith.muli %mul3A_142, %scan3A_139 : i32
      %add3A_144 = arith.constant 1 : i32
      %add3A_145 = arith.addi %mul3A_143, %add3A_144 : i32
      %mul3A_146 = arith.constant 256 : i32
      %mul3A_147 = arith.muli %mul3A_141, %mul3A_146 : i32
      %mul3A_148 = arith.constant 256 : i32
      %mul3A_149 = arith.muli %add3A_145, %mul3A_148 : i32
      %mul3A_150 = arith.constant 256 : i32
      %mul3A_151 = arith.muli %mul3A_141, %mul3A_150 : i32
      %mul3A_152 = arith.constant 256 : i32
      %mul3A_153 = arith.muli %add3A_145, %mul3A_152 : i32
      %dma_wait3A = tpu.memref_slice %arg7[%mul3A_147] : memref<50176xi32, #tpu.memory_space<vmem>> -> memref<256xi32, #tpu.memory_space<vmem>>
      %dma_wait3A_154 = arith.constant 0 : i32
      %dma_wait3A_155 = tpu.memref_slice %arg4[%add3A_113, %dma_wait3A_154] : memref<409600x8xf32, #tpu.memory_space<hbm>> -> memref<204800x8xf32, #tpu.memory_space<hbm>>
      %dma_wait3A_156 = arith.constant 0 : i32
      %dma_wait3A_157 = arith.constant 0 : i32
      %dma_wait3A_158 = tpu.memref_slice %dma_wait3A_155[%dma_wait3A_156, %dma_wait3A_157] : memref<204800x8xf32, #tpu.memory_space<hbm>> -> memref<204800x8xf32, #tpu.memory_space<hbm>>
      tpu.wait_indirect_dma semaphore(%arg12 : memref<!tpu.dma_semaphore, #tpu.memory_space<semaphore_mem>>) src(%dma_wait3A_158 : memref<204800x8xf32, #tpu.memory_space<hbm>>) dst(%arg9 : memref<256x8xf32, #tpu.memory_space<vmem>>)
      %dma_start3A_159 = tpu.memref_slice %arg8[%mul3A_151] : memref<50176xi32, #tpu.memory_space<vmem>> -> memref<256xi32, #tpu.memory_space<vmem>>
      %dma_start3A_160 = arith.constant 0 : i32
      %dma_start3A_161 = arith.constant 0 : i32
      %dma_start3A_162 = tpu.memref_slice %arg11[%dma_start3A_160, %dma_start3A_161] : memref<51200x8xf32, #tpu.memory_space<vmem_shared>> -> memref<51200x8xf32, #tpu.memory_space<vmem_shared>>
      tpu.enqueue_indirect_dma source(%arg9 : memref<256x8xf32, #tpu.memory_space<vmem>>) target(%dma_start3A_162 : memref<51200x8xf32, #tpu.memory_space<vmem_shared>>) offsets(%dma_start3A_159 : memref<256xi32, #tpu.memory_space<vmem>>) semaphore(%arg14 : memref<!tpu.dma_semaphore, #tpu.memory_space<semaphore_mem>>) {add = true}
      %dma_wait3A_163 = tpu.memref_slice %arg7[%mul3A_149] : memref<50176xi32, #tpu.memory_space<vmem>> -> memref<256xi32, #tpu.memory_space<vmem>>
      %dma_wait3A_164 = arith.constant 0 : i32
      %dma_wait3A_165 = tpu.memref_slice %arg4[%add3A_113, %dma_wait3A_164] : memref<409600x8xf32, #tpu.memory_space<hbm>> -> memref<204800x8xf32, #tpu.memory_space<hbm>>
      %dma_wait3A_166 = arith.constant 0 : i32
      %dma_wait3A_167 = arith.constant 0 : i32
      %dma_wait3A_168 = tpu.memref_slice %dma_wait3A_165[%dma_wait3A_166, %dma_wait3A_167] : memref<204800x8xf32, #tpu.memory_space<hbm>> -> memref<204800x8xf32, #tpu.memory_space<hbm>>
      tpu.wait_indirect_dma semaphore(%arg13 : memref<!tpu.dma_semaphore, #tpu.memory_space<semaphore_mem>>) src(%dma_wait3A_168 : memref<204800x8xf32, #tpu.memory_space<hbm>>) dst(%arg10 : memref<256x8xf32, #tpu.memory_space<vmem>>)
      %dma_start3A_169 = tpu.memref_slice %arg8[%mul3A_153] : memref<50176xi32, #tpu.memory_space<vmem>> -> memref<256xi32, #tpu.memory_space<vmem>>
      %dma_start3A_170 = arith.constant 0 : i32
      %dma_start3A_171 = arith.constant 0 : i32
      %dma_start3A_172 = tpu.memref_slice %arg11[%dma_start3A_170, %dma_start3A_171] : memref<51200x8xf32, #tpu.memory_space<vmem_shared>> -> memref<51200x8xf32, #tpu.memory_space<vmem_shared>>
      tpu.enqueue_indirect_dma source(%arg10 : memref<256x8xf32, #tpu.memory_space<vmem>>) target(%dma_start3A_172 : memref<51200x8xf32, #tpu.memory_space<vmem_shared>>) offsets(%dma_start3A_169 : memref<256xi32, #tpu.memory_space<vmem>>) semaphore(%arg15 : memref<!tpu.dma_semaphore, #tpu.memory_space<semaphore_mem>>) {add = true}
      %dma_wait3A_173 = tpu.memref_slice %arg8[%mul3A_151] : memref<50176xi32, #tpu.memory_space<vmem>> -> memref<256xi32, #tpu.memory_space<vmem>>
      %dma_wait3A_174 = arith.constant 0 : i32
      %dma_wait3A_175 = arith.constant 0 : i32
      %dma_wait3A_176 = tpu.memref_slice %arg11[%dma_wait3A_174, %dma_wait3A_175] : memref<51200x8xf32, #tpu.memory_space<vmem_shared>> -> memref<51200x8xf32, #tpu.memory_space<vmem_shared>>
      tpu.wait_indirect_dma semaphore(%arg14 : memref<!tpu.dma_semaphore, #tpu.memory_space<semaphore_mem>>) src(%arg9 : memref<256x8xf32, #tpu.memory_space<vmem>>) dst(%dma_wait3A_176 : memref<51200x8xf32, #tpu.memory_space<vmem_shared>>)
      %lt3A = arith.constant 97 : i32
      %lt3A_177 = arith.cmpi slt, %scan3A_139, %lt3A : i32
      %convert_element_type3A = arith.extui %lt3A_177 : i1 to i32
      %cond3A = arith.constant 0 : i32
      %cond3A_178 = arith.cmpi ne, %convert_element_type3A, %cond3A : i32
      scf.if %cond3A_178 {
        %add3A_188 = arith.constant 2 : i32
        %add3A_189 = arith.addi %mul3A_141, %add3A_188 : i32
        %mul3A_190 = arith.constant 256 : i32
        %mul3A_191 = arith.muli %add3A_189, %mul3A_190 : i32
        %dma_start3A_192 = tpu.memref_slice %arg7[%mul3A_191] : memref<50176xi32, #tpu.memory_space<vmem>> -> memref<256xi32, #tpu.memory_space<vmem>>
        %dma_start3A_193 = arith.constant 0 : i32
        %dma_start3A_194 = tpu.memref_slice %arg4[%add3A_113, %dma_start3A_193] : memref<409600x8xf32, #tpu.memory_space<hbm>> -> memref<204800x8xf32, #tpu.memory_space<hbm>>
        %dma_start3A_195 = arith.constant 0 : i32
        %dma_start3A_196 = arith.constant 0 : i32
        %dma_start3A_197 = tpu.memref_slice %dma_start3A_194[%dma_start3A_195, %dma_start3A_196] : memref<204800x8xf32, #tpu.memory_space<hbm>> -> memref<204800x8xf32, #tpu.memory_space<hbm>>
        tpu.enqueue_indirect_dma source(%dma_start3A_197 : memref<204800x8xf32, #tpu.memory_space<hbm>>) target(%arg9 : memref<256x8xf32, #tpu.memory_space<vmem>>) offsets(%dma_start3A_192 : memref<256xi32, #tpu.memory_space<vmem>>) semaphore(%arg12 : memref<!tpu.dma_semaphore, #tpu.memory_space<semaphore_mem>>)
      } else {
      }
      %dma_wait3A_179 = tpu.memref_slice %arg8[%mul3A_153] : memref<50176xi32, #tpu.memory_space<vmem>> -> memref<256xi32, #tpu.memory_space<vmem>>
      %dma_wait3A_180 = arith.constant 0 : i32
      %dma_wait3A_181 = arith.constant 0 : i32
      %dma_wait3A_182 = tpu.memref_slice %arg11[%dma_wait3A_180, %dma_wait3A_181] : memref<51200x8xf32, #tpu.memory_space<vmem_shared>> -> memref<51200x8xf32, #tpu.memory_space<vmem_shared>>
      tpu.wait_indirect_dma semaphore(%arg15 : memref<!tpu.dma_semaphore, #tpu.memory_space<semaphore_mem>>) src(%arg10 : memref<256x8xf32, #tpu.memory_space<vmem>>) dst(%dma_wait3A_182 : memref<51200x8xf32, #tpu.memory_space<vmem_shared>>)
      %lt3A_183 = arith.constant 97 : i32
      %lt3A_184 = arith.cmpi slt, %scan3A_139, %lt3A_183 : i32
      %convert_element_type3A_185 = arith.extui %lt3A_184 : i1 to i32
      %cond3A_186 = arith.constant 0 : i32
      %cond3A_187 = arith.cmpi ne, %convert_element_type3A_185, %cond3A_186 : i32
      scf.if %cond3A_187 {
        %add3A_188 = arith.constant 2 : i32
        %add3A_189 = arith.addi %add3A_145, %add3A_188 : i32
        %mul3A_190 = arith.constant 256 : i32
        %mul3A_191 = arith.muli %add3A_189, %mul3A_190 : i32
        %dma_start3A_192 = tpu.memref_slice %arg7[%mul3A_191] : memref<50176xi32, #tpu.memory_space<vmem>> -> memref<256xi32, #tpu.memory_space<vmem>>
        %dma_start3A_193 = arith.constant 0 : i32
        %dma_start3A_194 = tpu.memref_slice %arg4[%add3A_113, %dma_start3A_193] : memref<409600x8xf32, #tpu.memory_space<hbm>> -> memref<204800x8xf32, #tpu.memory_space<hbm>>
        %dma_start3A_195 = arith.constant 0 : i32
        %dma_start3A_196 = arith.constant 0 : i32
        %dma_start3A_197 = tpu.memref_slice %dma_start3A_194[%dma_start3A_195, %dma_start3A_196] : memref<204800x8xf32, #tpu.memory_space<hbm>> -> memref<204800x8xf32, #tpu.memory_space<hbm>>
        tpu.enqueue_indirect_dma source(%dma_start3A_197 : memref<204800x8xf32, #tpu.memory_space<hbm>>) target(%arg10 : memref<256x8xf32, #tpu.memory_space<vmem>>) offsets(%dma_start3A_192 : memref<256xi32, #tpu.memory_space<vmem>>) semaphore(%arg13 : memref<!tpu.dma_semaphore, #tpu.memory_space<semaphore_mem>>)
      } else {
      }
    }
    %scan3A_133 = arith.constant 98 : i32
    %barrier3A_134 = arith.constant 0 : index
    tpu.barrier barrier_id(%barrier3A_134)
    %mul3A_135 = arith.constant 3200 : i32
    %mul3A_136 = arith.muli %arg1, %mul3A_135 : i32
    %mul3A_137 = arith.constant 3200 : i32
    %mul3A_138 = arith.muli %arg1, %mul3A_137 : i32
    "tpu.region"() ({
      %run_scoped3A = tpu.sem_alloc : memref<!tpu.dma_semaphore, #tpu.memory_space<semaphore_mem>>
      %dma_start3A_139 = arith.constant 0 : i32
      %dma_start3A_140 = tpu.memref_slice %arg6[%add3A_106, %mul3A_138, %dma_start3A_139] : memref<8x51200x8xf32, #tpu.memory_space<hbm>> -> memref<1x3200x8xf32, #tpu.memory_space<hbm>>
      %dma_start3A_141 = tpu.memref_squeeze %dma_start3A_140 : memref<1x3200x8xf32, #tpu.memory_space<hbm>> -> memref<3200x8xf32, #tpu.memory_space<hbm>>
      %dma_start3A_142 = arith.constant 0 : i32
      %dma_start3A_143 = tpu.memref_slice %arg11[%mul3A_136, %dma_start3A_142] : memref<51200x8xf32, #tpu.memory_space<vmem_shared>> -> memref<3200x8xf32, #tpu.memory_space<vmem_shared>>
      tpu.enqueue_dma source(%dma_start3A_143 : memref<3200x8xf32, #tpu.memory_space<vmem_shared>>) target(%dma_start3A_141 : memref<3200x8xf32, #tpu.memory_space<hbm>>) target_semaphore(%run_scoped3A : memref<!tpu.dma_semaphore, #tpu.memory_space<semaphore_mem>>)
      %dma_wait3A = arith.constant 0 : i32
      %dma_wait3A_144 = tpu.memref_slice %arg6[%add3A_106, %mul3A_138, %dma_wait3A] : memref<8x51200x8xf32, #tpu.memory_space<hbm>> -> memref<1x3200x8xf32, #tpu.memory_space<hbm>>
      %dma_wait3A_145 = tpu.memref_squeeze %dma_wait3A_144 : memref<1x3200x8xf32, #tpu.memory_space<hbm>> -> memref<3200x8xf32, #tpu.memory_space<hbm>>
      %dma_wait3A_146 = arith.constant 0 : i32
      %dma_wait3A_147 = tpu.memref_slice %arg11[%mul3A_136, %dma_wait3A_146] : memref<51200x8xf32, #tpu.memory_space<vmem_shared>> -> memref<3200x8xf32, #tpu.memory_space<vmem_shared>>
      tpu.wait_dma2 semaphore(%run_scoped3A : memref<!tpu.dma_semaphore, #tpu.memory_space<semaphore_mem>>) src(%dma_wait3A_147 : memref<3200x8xf32, #tpu.memory_space<vmem_shared>>) dst(%dma_wait3A_145 : memref<3200x8xf32, #tpu.memory_space<hbm>>)
      tpu.yield
    }) : () -> ()
    return
  }
}

module attributes {stable_mosaic.version = 14 : i64} {
  func.func @_embed_body(%arg0: i32, %arg1: i32, %arg2: memref<1x64x1024xbf16, #tpu.memory_space<vmem>>, %arg3: memref<1x1024x512xf32, #tpu.memory_space<vmem>>, %arg4: memref<1x64x512xf32, #tpu.memory_space<vmem>>) attributes {dimension_semantics = [#tpu.dimension_semantics<arbitrary>, #tpu.dimension_semantics<arbitrary>], iteration_bounds = array<i64: 2, 50>, scalar_prefetch = 0 : i64, scratch_operands = 0 : i64, tpu.core_type = #tpu.core_type<tc>, window_params = [{transform_indices = @transform_0, window_bounds = array<i64: 1, 64, 1024>}, {transform_indices = @transform_1, window_bounds = array<i64: 1, 1024, 512>}, {transform_indices = @transform_2, window_bounds = array<i64: 1, 64, 512>}]} {
    %iota3A = tpu.iota {dimensions = array<i32: 1>} : vector<64x1024xi32>
    %and3A = arith.constant 63 : i32
    %and3A_0 = vector.broadcast %and3A : i32 to vector<64x1024xi32>
    %and3A_1 = arith.andi %iota3A, %and3A_0 : vector<64x1024xi32>
    %convert_element_type3A = arith.sitofp %and3A_1 : vector<64x1024xi32> to vector<64x1024xbf16>
    %get3A = arith.constant 0 : index
    %get3A_2 = arith.constant 0 : index
    %get3A_3 = arith.constant 0 : index
    %get3A_4 = vector.load %arg2[%get3A, %get3A_2, %get3A_3] : memref<1x64x1024xbf16, #tpu.memory_space<vmem>>, vector<1x64x1024xbf16>
    %get3A_5 = vector.shape_cast %get3A_4 : vector<1x64x1024xbf16> to vector<64x1024xbf16>
    %eq3A = arith.cmpf oeq, %get3A_5, %convert_element_type3A : vector<64x1024xbf16>
    %convert_element_type3A_6 = arith.extui %eq3A : vector<64x1024xi1> to vector<64x1024xi32>
    %convert_element_type3A_7 = arith.sitofp %convert_element_type3A_6 : vector<64x1024xi32> to vector<64x1024xf32>
    %get3A_8 = arith.constant 0 : index
    %get3A_9 = arith.constant 0 : index
    %get3A_10 = arith.constant 0 : index
    %get3A_11 = vector.load %arg3[%get3A_8, %get3A_9, %get3A_10] : memref<1x1024x512xf32, #tpu.memory_space<vmem>>, vector<1x1024x512xf32>
    %get3A_12 = vector.shape_cast %get3A_11 : vector<1x1024x512xf32> to vector<1024x512xf32>
    %dot_general3A = arith.constant dense<0.000000e+00> : vector<64x512xf32>
    %dot_general3A_13 = tpu.matmul %convert_element_type3A_7, %get3A_12, %dot_general3A {dimension_numbers = #tpu.dot_dimension_numbers<[1], [0], [0], [1], [0, 0, 1, 1], [], []>, transpose_lhs_hint = false} : vector<64x1024xf32>, vector<1024x512xf32>, vector<64x512xf32> -> vector<64x512xf32>
    %swap3A = arith.constant 0 : index
    %swap3A_14 = arith.constant 0 : index
    %swap3A_15 = arith.constant 0 : index
    %swap3A_16 = vector.load %arg4[%swap3A, %swap3A_14, %swap3A_15] : memref<1x64x512xf32, #tpu.memory_space<vmem>>, vector<1x64x512xf32>
    %swap3A_17 = vector.shape_cast %swap3A_16 : vector<1x64x512xf32> to vector<64x512xf32>
    %swap3A_18 = vector.shape_cast %dot_general3A_13 : vector<64x512xf32> to vector<1x64x512xf32>
    tpu.vector_store %arg4[%swap3A, %swap3A_14, %swap3A_15], %swap3A_18 {strides = array<i32>} : memref<1x64x512xf32, #tpu.memory_space<vmem>>, vector<1x64x512xf32>,
    return
  }
  func.func @transform_0(%arg0: i32, %arg1: i32) -> (i32, i32, i32) {
    %c0_i32 = arith.constant 0 : i32
    %c0_i32_0 = arith.constant 0 : i32
    return %arg0, %arg1, %c0_i32 : i32, i32, i32
  }
  func.func @transform_1(%arg0: i32, %arg1: i32) -> (i32, i32, i32) {
    %c0_i32 = arith.constant 0 : i32
    %c0_i32_0 = arith.constant 0 : i32
    %c0_i32_1 = arith.constant 0 : i32
    return %arg0, %c0_i32, %c0_i32_0 : i32, i32, i32
  }
  func.func @transform_2(%arg0: i32, %arg1: i32) -> (i32, i32, i32) {
    %c0_i32 = arith.constant 0 : i32
    %c0_i32_0 = arith.constant 0 : i32
    return %arg0, %arg1, %c0_i32 : i32, i32, i32
  }
}

module attributes {stable_mosaic.version = 14 : i64} {
  func.func @_xlayer_body(%arg0: i32, %arg1: memref<1x64x128xf32, #tpu.memory_space<vmem>>, %arg2: memref<1x64x128xf32, #tpu.memory_space<vmem>>, %arg3: memref<1x64x128xf32, #tpu.memory_space<vmem>>, %arg4: memref<1x64x128xf32, #tpu.memory_space<vmem>>, %arg5: memref<1x64x128xf32, #tpu.memory_space<vmem>>, %arg6: memref<1x64x128xf32, #tpu.memory_space<vmem>>, %arg7: memref<1x64x128xf32, #tpu.memory_space<vmem>>, %arg8: memref<1x64x128xf32, #tpu.memory_space<vmem>>, %arg9: memref<1x64x128xf32, #tpu.memory_space<vmem>>, %arg10: memref<1x64x128xf32, #tpu.memory_space<vmem>>, %arg11: memref<1x64x128xf32, #tpu.memory_space<vmem>>, %arg12: memref<1x64x128xf32, #tpu.memory_space<vmem>>, %arg13: memref<1x64x128xf32, #tpu.memory_space<vmem>>, %arg14: memref<1x64x128xf32, #tpu.memory_space<vmem>>, %arg15: memref<1x64x128xf32, #tpu.memory_space<vmem>>, %arg16: memref<1x64x128xf32, #tpu.memory_space<vmem>>, %arg17: memref<1024x512xf32, #tpu.memory_space<vmem>>, %arg18: memref<1x512xf32, #tpu.memory_space<vmem>>, %arg19: memref<64x512xf32, #tpu.memory_space<vmem>>, %arg20: memref<8x512xf32, #tpu.memory_space<vmem>>) attributes {dimension_semantics = [#tpu.dimension_semantics<arbitrary>], iteration_bounds = array<i64: 50>, scalar_prefetch = 0 : i64, scratch_operands = 0 : i64, tpu.core_type = #tpu.core_type<tc>, window_params = [{transform_indices = @transform_0, window_bounds = array<i64: 1, 64, 128>}, {transform_indices = @transform_1, window_bounds = array<i64: 1, 64, 128>}, {transform_indices = @transform_2, window_bounds = array<i64: 1, 64, 128>}, {transform_indices = @transform_3, window_bounds = array<i64: 1, 64, 128>}, {transform_indices = @transform_4, window_bounds = array<i64: 1, 64, 128>}, {transform_indices = @transform_5, window_bounds = array<i64: 1, 64, 128>}, {transform_indices = @transform_6, window_bounds = array<i64: 1, 64, 128>}, {transform_indices = @transform_7, window_bounds = array<i64: 1, 64, 128>}, {transform_indices = @transform_8, window_bounds = array<i64: 1, 64, 128>}, {transform_indices = @transform_9, window_bounds = array<i64: 1, 64, 128>}, {transform_indices = @transform_10, window_bounds = array<i64: 1, 64, 128>}, {transform_indices = @transform_11, window_bounds = array<i64: 1, 64, 128>}, {transform_indices = @transform_12, window_bounds = array<i64: 1, 64, 128>}, {transform_indices = @transform_13, window_bounds = array<i64: 1, 64, 128>}, {transform_indices = @transform_14, window_bounds = array<i64: 1, 64, 128>}, {transform_indices = @transform_15, window_bounds = array<i64: 1, 64, 128>}, {pipeline_mode = #tpu.pipeline_mode<synchronous>, transform_indices = @transform_16, window_bounds = array<i64: 1024, 512>}, {pipeline_mode = #tpu.pipeline_mode<synchronous>, transform_indices = @transform_17, window_bounds = array<i64: 1, 512>}, {transform_indices = @transform_18, window_bounds = array<i64: 64, 512>}, {pipeline_mode = #tpu.pipeline_mode<synchronous>, transform_indices = @transform_19, window_bounds = array<i64: 8, 512>}]} {
    %get3A = arith.constant 0 : index
    %get3A_0 = arith.constant 0 : index
    %get3A_1 = arith.constant 0 : index
    %get3A_2 = vector.load %arg1[%get3A, %get3A_0, %get3A_1] : memref<1x64x128xf32, #tpu.memory_space<vmem>>, vector<1x64x128xf32>
    %get3A_3 = vector.shape_cast %get3A_2 : vector<1x64x128xf32> to vector<64x128xf32>
    %get3A_4 = arith.constant 0 : index
    %get3A_5 = arith.constant 0 : index
    %get3A_6 = arith.constant 0 : index
    %get3A_7 = vector.load %arg9[%get3A_4, %get3A_5, %get3A_6] : memref<1x64x128xf32, #tpu.memory_space<vmem>>, vector<1x64x128xf32>
    %get3A_8 = vector.shape_cast %get3A_7 : vector<1x64x128xf32> to vector<64x128xf32>
    %add3A = arith.addf %get3A_3, %get3A_8 : vector<64x128xf32>
    %get3A_9 = arith.constant 0 : index
    %get3A_10 = arith.constant 0 : index
    %get3A_11 = arith.constant 0 : index
    %get3A_12 = vector.load %arg2[%get3A_9, %get3A_10, %get3A_11] : memref<1x64x128xf32, #tpu.memory_space<vmem>>, vector<1x64x128xf32>
    %get3A_13 = vector.shape_cast %get3A_12 : vector<1x64x128xf32> to vector<64x128xf32>
    %get3A_14 = arith.constant 0 : index
    %get3A_15 = arith.constant 0 : index
    %get3A_16 = arith.constant 0 : index
    %get3A_17 = vector.load %arg10[%get3A_14, %get3A_15, %get3A_16] : memref<1x64x128xf32, #tpu.memory_space<vmem>>, vector<1x64x128xf32>
    %get3A_18 = vector.shape_cast %get3A_17 : vector<1x64x128xf32> to vector<64x128xf32>
    %add3A_19 = arith.addf %get3A_13, %get3A_18 : vector<64x128xf32>
    %get3A_20 = arith.constant 0 : index
    %get3A_21 = arith.constant 0 : index
    %get3A_22 = arith.constant 0 : index
    %get3A_23 = vector.load %arg3[%get3A_20, %get3A_21, %get3A_22] : memref<1x64x128xf32, #tpu.memory_space<vmem>>, vector<1x64x128xf32>
    %get3A_24 = vector.shape_cast %get3A_23 : vector<1x64x128xf32> to vector<64x128xf32>
    %get3A_25 = arith.constant 0 : index
    %get3A_26 = arith.constant 0 : index
    %get3A_27 = arith.constant 0 : index
    %get3A_28 = vector.load %arg11[%get3A_25, %get3A_26, %get3A_27] : memref<1x64x128xf32, #tpu.memory_space<vmem>>, vector<1x64x128xf32>
    %get3A_29 = vector.shape_cast %get3A_28 : vector<1x64x128xf32> to vector<64x128xf32>
    %add3A_30 = arith.addf %get3A_24, %get3A_29 : vector<64x128xf32>
    %get3A_31 = arith.constant 0 : index
    %get3A_32 = arith.constant 0 : index
    %get3A_33 = arith.constant 0 : index
    %get3A_34 = vector.load %arg4[%get3A_31, %get3A_32, %get3A_33] : memref<1x64x128xf32, #tpu.memory_space<vmem>>, vector<1x64x128xf32>
    %get3A_35 = vector.shape_cast %get3A_34 : vector<1x64x128xf32> to vector<64x128xf32>
    %get3A_36 = arith.constant 0 : index
    %get3A_37 = arith.constant 0 : index
    %get3A_38 = arith.constant 0 : index
    %get3A_39 = vector.load %arg12[%get3A_36, %get3A_37, %get3A_38] : memref<1x64x128xf32, #tpu.memory_space<vmem>>, vector<1x64x128xf32>
    %get3A_40 = vector.shape_cast %get3A_39 : vector<1x64x128xf32> to vector<64x128xf32>
    %add3A_41 = arith.addf %get3A_35, %get3A_40 : vector<64x128xf32>
    %get3A_42 = arith.constant 0 : index
    %get3A_43 = arith.constant 0 : index
    %get3A_44 = arith.constant 0 : index
    %get3A_45 = vector.load %arg5[%get3A_42, %get3A_43, %get3A_44] : memref<1x64x128xf32, #tpu.memory_space<vmem>>, vector<1x64x128xf32>
    %get3A_46 = vector.shape_cast %get3A_45 : vector<1x64x128xf32> to vector<64x128xf32>
    %get3A_47 = arith.constant 0 : index
    %get3A_48 = arith.constant 0 : index
    %get3A_49 = arith.constant 0 : index
    %get3A_50 = vector.load %arg13[%get3A_47, %get3A_48, %get3A_49] : memref<1x64x128xf32, #tpu.memory_space<vmem>>, vector<1x64x128xf32>
    %get3A_51 = vector.shape_cast %get3A_50 : vector<1x64x128xf32> to vector<64x128xf32>
    %add3A_52 = arith.addf %get3A_46, %get3A_51 : vector<64x128xf32>
    %get3A_53 = arith.constant 0 : index
    %get3A_54 = arith.constant 0 : index
    %get3A_55 = arith.constant 0 : index
    %get3A_56 = vector.load %arg6[%get3A_53, %get3A_54, %get3A_55] : memref<1x64x128xf32, #tpu.memory_space<vmem>>, vector<1x64x128xf32>
    %get3A_57 = vector.shape_cast %get3A_56 : vector<1x64x128xf32> to vector<64x128xf32>
    %get3A_58 = arith.constant 0 : index
    %get3A_59 = arith.constant 0 : index
    %get3A_60 = arith.constant 0 : index
    %get3A_61 = vector.load %arg14[%get3A_58, %get3A_59, %get3A_60] : memref<1x64x128xf32, #tpu.memory_space<vmem>>, vector<1x64x128xf32>
    %get3A_62 = vector.shape_cast %get3A_61 : vector<1x64x128xf32> to vector<64x128xf32>
    %add3A_63 = arith.addf %get3A_57, %get3A_62 : vector<64x128xf32>
    %get3A_64 = arith.constant 0 : index
    %get3A_65 = arith.constant 0 : index
    %get3A_66 = arith.constant 0 : index
    %get3A_67 = vector.load %arg7[%get3A_64, %get3A_65, %get3A_66] : memref<1x64x128xf32, #tpu.memory_space<vmem>>, vector<1x64x128xf32>
    %get3A_68 = vector.shape_cast %get3A_67 : vector<1x64x128xf32> to vector<64x128xf32>
    %get3A_69 = arith.constant 0 : index
    %get3A_70 = arith.constant 0 : index
    %get3A_71 = arith.constant 0 : index
    %get3A_72 = vector.load %arg15[%get3A_69, %get3A_70, %get3A_71] : memref<1x64x128xf32, #tpu.memory_space<vmem>>, vector<1x64x128xf32>
    %get3A_73 = vector.shape_cast %get3A_72 : vector<1x64x128xf32> to vector<64x128xf32>
    %add3A_74 = arith.addf %get3A_68, %get3A_73 : vector<64x128xf32>
    %get3A_75 = arith.constant 0 : index
    %get3A_76 = arith.constant 0 : index
    %get3A_77 = arith.constant 0 : index
    %get3A_78 = vector.load %arg8[%get3A_75, %get3A_76, %get3A_77] : memref<1x64x128xf32, #tpu.memory_space<vmem>>, vector<1x64x128xf32>
    %get3A_79 = vector.shape_cast %get3A_78 : vector<1x64x128xf32> to vector<64x128xf32>
    %get3A_80 = arith.constant 0 : index
    %get3A_81 = arith.constant 0 : index
    %get3A_82 = arith.constant 0 : index
    %get3A_83 = vector.load %arg16[%get3A_80, %get3A_81, %get3A_82] : memref<1x64x128xf32, #tpu.memory_space<vmem>>, vector<1x64x128xf32>
    %get3A_84 = vector.shape_cast %get3A_83 : vector<1x64x128xf32> to vector<64x128xf32>
    %add3A_85 = arith.addf %get3A_79, %get3A_84 : vector<64x128xf32>
    %concatenate3A = tpu.concatenate %add3A, %add3A_19, %add3A_30, %add3A_41, %add3A_52, %add3A_63, %add3A_74, %add3A_85 in 1 : vector<64x128xf32>, vector<64x128xf32>, vector<64x128xf32>, vector<64x128xf32>, vector<64x128xf32>, vector<64x128xf32>, vector<64x128xf32>, vector<64x128xf32> -> vector<64x1024xf32>
    %get3A_86 = arith.constant 0 : index
    %get3A_87 = arith.constant 0 : index
    %get3A_88 = vector.load %arg17[%get3A_86, %get3A_87] : memref<1024x512xf32, #tpu.memory_space<vmem>>, vector<1024x512xf32>
    %dot_general3A = arith.constant dense<0.000000e+00> : vector<64x512xf32>
    %dot_general3A_89 = tpu.matmul %concatenate3A, %get3A_88, %dot_general3A {dimension_numbers = #tpu.dot_dimension_numbers<[1], [0], [0], [1], [0, 0, 1, 1], [], []>, transpose_lhs_hint = false} : vector<64x1024xf32>, vector<1024x512xf32>, vector<64x512xf32> -> vector<64x512xf32>
    %get3A_90 = arith.constant 0 : index
    %get3A_91 = arith.constant 0 : index
    %get3A_92 = vector.load %arg18[%get3A_90, %get3A_91] : memref<1x512xf32, #tpu.memory_space<vmem>>, vector<1x512xf32>
    %add3A_93 = vector.broadcast %get3A_92 : vector<1x512xf32> to vector<64x512xf32>
    %add3A_94 = arith.addf %dot_general3A_89, %add3A_93 : vector<64x512xf32>
    %swap3A = arith.constant 0 : index
    %swap3A_95 = arith.constant 0 : index
    %swap3A_96 = vector.load %arg19[%swap3A, %swap3A_95] : memref<64x512xf32, #tpu.memory_space<vmem>>, vector<64x512xf32>
    tpu.vector_store %arg19[%swap3A, %swap3A_95], %add3A_94 {strides = array<i32>} : memref<64x512xf32, #tpu.memory_space<vmem>>, vector<64x512xf32>,
    %mul3A = arith.constant 64 : i32
    %mul3A_97 = arith.muli %arg0, %mul3A : i32
    %iota3A = tpu.iota {dimensions = array<i32: 0>} : vector<64x1xi32>
    %add3A_98 = vector.broadcast %mul3A_97 : i32 to vector<64x1xi32>
    %add3A_99 = arith.addi %add3A_98, %iota3A : vector<64x1xi32>
    %lt3A = arith.constant 3125 : i32
    %lt3A_100 = vector.broadcast %lt3A : i32 to vector<64x1xi32>
    %lt3A_101 = arith.cmpi slt, %add3A_99, %lt3A_100 : vector<64x1xi32>
    %jit3A = arith.constant 0.000000e+00 : f32
    %broadcast_in_dim3A = vector.shape_cast %lt3A_101 : vector<64x1xi1> to vector<64x1xi1>
    %broadcast_in_dim3A_102 = vector.broadcast %broadcast_in_dim3A : vector<64x1xi1> to vector<64x512xi1>
    %broadcast_in_dim3A_103 = vector.broadcast %jit3A : f32 to vector<64x512xf32>
    %select_n3A = arith.select %broadcast_in_dim3A_102, %add3A_94, %broadcast_in_dim3A_103 : vector<64x512xi1>, vector<64x512xf32>
    %eq3A = arith.constant 0 : i32
    %eq3A_104 = arith.cmpi eq, %arg0, %eq3A : i32
    %convert_element_type3A = arith.extui %eq3A_104 : i1 to i32
    %cond3A = arith.constant 0 : i32
    %cond3A_105 = arith.cmpi ne, %convert_element_type3A, %cond3A : i32
    scf.if %cond3A_105 {
      %broadcast_in_dim3A_126 = arith.constant 0.000000e+00 : f32
      %broadcast_in_dim3A_127 = vector.broadcast %broadcast_in_dim3A_126 : f32 to vector<8x512xf32>
      %swap3A_128 = arith.constant 0 : index
      %swap3A_129 = arith.constant 0 : index
      %swap3A_130 = vector.load %arg20[%swap3A_128, %swap3A_129] : memref<8x512xf32, #tpu.memory_space<vmem>>, vector<8x512xf32>
      tpu.vector_store %arg20[%swap3A_128, %swap3A_129], %broadcast_in_dim3A_127 {strides = array<i32>} : memref<8x512xf32, #tpu.memory_space<vmem>>, vector<8x512xf32>,
    } else {
    }
    %get3A_106 = arith.constant 0 : index
    %get3A_107 = arith.constant 0 : index
    %get3A_108 = vector.load %arg20[%get3A_106, %get3A_107] : memref<8x512xf32, #tpu.memory_space<vmem>>, vector<1x512xf32>
    %reduce_sum3A = arith.constant dense<0.000000e+00> : vector<512xf32>
    %reduce_sum3A_109 = vector.multi_reduction <add>, %select_n3A, %reduce_sum3A [0] : vector<64x512xf32> to vector<512xf32>
    %broadcast_in_dim3A_110 = vector.shape_cast %reduce_sum3A_109 : vector<512xf32> to vector<1x512xf32>
    %add3A_111 = arith.addf %get3A_108, %broadcast_in_dim3A_110 : vector<1x512xf32>
    %swap3A_112 = arith.constant 0 : index
    %swap3A_113 = arith.constant 0 : index
    %swap3A_114 = vector.load %arg20[%swap3A_112, %swap3A_113] : memref<8x512xf32, #tpu.memory_space<vmem>>, vector<1x512xf32>
    tpu.vector_store %arg20[%swap3A_112, %swap3A_113], %add3A_111 {strides = array<i32>} : memref<8x512xf32, #tpu.memory_space<vmem>>, vector<1x512xf32>,
    %get3A_115 = arith.constant 1 : index
    %get3A_116 = arith.constant 0 : index
    %get3A_117 = vector.load %arg20[%get3A_115, %get3A_116] : memref<8x512xf32, #tpu.memory_space<vmem>>, vector<1x512xf32>
    %mul3A_118 = arith.mulf %select_n3A, %select_n3A : vector<64x512xf32>
    %reduce_sum3A_119 = arith.constant dense<0.000000e+00> : vector<512xf32>
    %reduce_sum3A_120 = vector.multi_reduction <add>, %mul3A_118, %reduce_sum3A_119 [0] : vector<64x512xf32> to vector<512xf32>
    %broadcast_in_dim3A_121 = vector.shape_cast %reduce_sum3A_120 : vector<512xf32> to vector<1x512xf32>
    %add3A_122 = arith.addf %get3A_117, %broadcast_in_dim3A_121 : vector<1x512xf32>
    %swap3A_123 = arith.constant 1 : index
    %swap3A_124 = arith.constant 0 : index
    %swap3A_125 = vector.load %arg20[%swap3A_123, %swap3A_124] : memref<8x512xf32, #tpu.memory_space<vmem>>, vector<1x512xf32>
    tpu.vector_store %arg20[%swap3A_123, %swap3A_124], %add3A_122 {strides = array<i32>} : memref<8x512xf32, #tpu.memory_space<vmem>>, vector<1x512xf32>,
    return
  }
  func.func @transform_0(%arg0: i32) -> (i32, i32, i32) {
    %c0_i32 = arith.constant 0 : i32
    %c0_i32_0 = arith.constant 0 : i32
    %c0_i32_1 = arith.constant 0 : i32
    return %c0_i32, %arg0, %c0_i32_0 : i32, i32, i32
  }
  func.func @transform_1(%arg0: i32) -> (i32, i32, i32) {
    %c0_i32 = arith.constant 0 : i32
    %c1_i32 = arith.constant 1 : i32
    %c0_i32_0 = arith.constant 0 : i32
    return %c0_i32, %arg0, %c1_i32 : i32, i32, i32
  }
  func.func @transform_2(%arg0: i32) -> (i32, i32, i32) {
    %c0_i32 = arith.constant 0 : i32
    %c2_i32 = arith.constant 2 : i32
    %c0_i32_0 = arith.constant 0 : i32
    return %c0_i32, %arg0, %c2_i32 : i32, i32, i32
  }
  func.func @transform_3(%arg0: i32) -> (i32, i32, i32) {
    %c0_i32 = arith.constant 0 : i32
    %c3_i32 = arith.constant 3 : i32
    %c0_i32_0 = arith.constant 0 : i32
    return %c0_i32, %arg0, %c3_i32 : i32, i32, i32
  }
  func.func @transform_4(%arg0: i32) -> (i32, i32, i32) {
    %c1_i32 = arith.constant 1 : i32
    %c0_i32 = arith.constant 0 : i32
    %c0_i32_0 = arith.constant 0 : i32
    return %c1_i32, %arg0, %c0_i32 : i32, i32, i32
  }
  func.func @transform_5(%arg0: i32) -> (i32, i32, i32) {
    %c1_i32 = arith.constant 1 : i32
    %c1_i32_0 = arith.constant 1 : i32
    %c0_i32 = arith.constant 0 : i32
    return %c1_i32, %arg0, %c1_i32_0 : i32, i32, i32
  }
  func.func @transform_6(%arg0: i32) -> (i32, i32, i32) {
    %c1_i32 = arith.constant 1 : i32
    %c2_i32 = arith.constant 2 : i32
    %c0_i32 = arith.constant 0 : i32
    return %c1_i32, %arg0, %c2_i32 : i32, i32, i32
  }
  func.func @transform_7(%arg0: i32) -> (i32, i32, i32) {
    %c1_i32 = arith.constant 1 : i32
    %c3_i32 = arith.constant 3 : i32
    %c0_i32 = arith.constant 0 : i32
    return %c1_i32, %arg0, %c3_i32 : i32, i32, i32
  }
  func.func @transform_8(%arg0: i32) -> (i32, i32, i32) {
    %c0_i32 = arith.constant 0 : i32
    %c0_i32_0 = arith.constant 0 : i32
    %c0_i32_1 = arith.constant 0 : i32
    return %c0_i32, %arg0, %c0_i32_0 : i32, i32, i32
  }
  func.func @transform_9(%arg0: i32) -> (i32, i32, i32) {
    %c1_i32 = arith.constant 1 : i32
    %c0_i32 = arith.constant 0 : i32
    %c0_i32_0 = arith.constant 0 : i32
    return %c1_i32, %arg0, %c0_i32 : i32, i32, i32
  }
  func.func @transform_10(%arg0: i32) -> (i32, i32, i32) {
    %c2_i32 = arith.constant 2 : i32
    %c0_i32 = arith.constant 0 : i32
    %c0_i32_0 = arith.constant 0 : i32
    return %c2_i32, %arg0, %c0_i32 : i32, i32, i32
  }
  func.func @transform_11(%arg0: i32) -> (i32, i32, i32) {
    %c3_i32 = arith.constant 3 : i32
    %c0_i32 = arith.constant 0 : i32
    %c0_i32_0 = arith.constant 0 : i32
    return %c3_i32, %arg0, %c0_i32 : i32, i32, i32
  }
  func.func @transform_12(%arg0: i32) -> (i32, i32, i32) {
    %c4_i32 = arith.constant 4 : i32
    %c0_i32 = arith.constant 0 : i32
    %c0_i32_0 = arith.constant 0 : i32
    return %c4_i32, %arg0, %c0_i32 : i32, i32, i32
  }
  func.func @transform_13(%arg0: i32) -> (i32, i32, i32) {
    %c5_i32 = arith.constant 5 : i32
    %c0_i32 = arith.constant 0 : i32
    %c0_i32_0 = arith.constant 0 : i32
    return %c5_i32, %arg0, %c0_i32 : i32, i32, i32
  }
  func.func @transform_14(%arg0: i32) -> (i32, i32, i32) {
    %c6_i32 = arith.constant 6 : i32
    %c0_i32 = arith.constant 0 : i32
    %c0_i32_0 = arith.constant 0 : i32
    return %c6_i32, %arg0, %c0_i32 : i32, i32, i32
  }
  func.func @transform_15(%arg0: i32) -> (i32, i32, i32) {
    %c7_i32 = arith.constant 7 : i32
    %c0_i32 = arith.constant 0 : i32
    %c0_i32_0 = arith.constant 0 : i32
    return %c7_i32, %arg0, %c0_i32 : i32, i32, i32
  }
  func.func @transform_16(%arg0: i32) -> (i32, i32) {
    %c0_i32 = arith.constant 0 : i32
    %c0_i32_0 = arith.constant 0 : i32
    %c0_i32_1 = arith.constant 0 : i32
    return %c0_i32, %c0_i32_0 : i32, i32
  }
  func.func @transform_17(%arg0: i32) -> (i32, i32) {
    %c0_i32 = arith.constant 0 : i32
    %c0_i32_0 = arith.constant 0 : i32
    %c0_i32_1 = arith.constant 0 : i32
    return %c0_i32, %c0_i32_0 : i32, i32
  }
  func.func @transform_18(%arg0: i32) -> (i32, i32) {
    %c0_i32 = arith.constant 0 : i32
    %c0_i32_0 = arith.constant 0 : i32
    return %arg0, %c0_i32 : i32, i32
  }
  func.func @transform_19(%arg0: i32) -> (i32, i32) {
    %c0_i32 = arith.constant 0 : i32
    %c0_i32_0 = arith.constant 0 : i32
    %c0_i32_1 = arith.constant 0 : i32
    return %c0_i32, %c0_i32_0 : i32, i32
  }
}

module attributes {stable_mosaic.version = 14 : i64} {
  func.func @_ylayer_body(%arg0: i32, %arg1: memref<8x512xf32, #tpu.memory_space<vmem>>, %arg2: memref<64x512xf32, #tpu.memory_space<vmem>>, %arg3: memref<512x32xf32, #tpu.memory_space<vmem>>, %arg4: memref<32x512xf32, #tpu.memory_space<vmem>>, %arg5: memref<1x64x128xf32, #tpu.memory_space<vmem>>, %arg6: memref<1x64x128xf32, #tpu.memory_space<vmem>>, %arg7: memref<1x64x128xf32, #tpu.memory_space<vmem>>, %arg8: memref<1x64x128xf32, #tpu.memory_space<vmem>>, %arg9: memref<1x64x128xf32, #tpu.memory_space<vmem>>, %arg10: memref<1x64x128xf32, #tpu.memory_space<vmem>>, %arg11: memref<1x64x128xf32, #tpu.memory_space<vmem>>, %arg12: memref<1x64x128xf32, #tpu.memory_space<vmem>>, %arg13: memref<1x512xf32, #tpu.memory_space<vmem>>, %arg14: memref<1x512xf32, #tpu.memory_space<vmem>>, %arg15: memref<1024x512xf32, #tpu.memory_space<vmem>>, %arg16: memref<512x512xf32, #tpu.memory_space<vmem>>, %arg17: memref<1x512xf32, #tpu.memory_space<vmem>>, %arg18: memref<64x512xf32, #tpu.memory_space<vmem>>, %arg19: memref<8x512xf32, #tpu.memory_space<vmem>>) attributes {dimension_semantics = [#tpu.dimension_semantics<arbitrary>], iteration_bounds = array<i64: 50>, scalar_prefetch = 0 : i64, scratch_operands = 0 : i64, tpu.core_type = #tpu.core_type<tc>, window_params = [{pipeline_mode = #tpu.pipeline_mode<synchronous>, transform_indices = @transform_0, window_bounds = array<i64: 8, 512>}, {transform_indices = @transform_1, window_bounds = array<i64: 64, 512>}, {pipeline_mode = #tpu.pipeline_mode<synchronous>, transform_indices = @transform_2, window_bounds = array<i64: 512, 32>}, {pipeline_mode = #tpu.pipeline_mode<synchronous>, transform_indices = @transform_3, window_bounds = array<i64: 32, 512>}, {transform_indices = @transform_4, window_bounds = array<i64: 1, 64, 128>}, {transform_indices = @transform_5, window_bounds = array<i64: 1, 64, 128>}, {transform_indices = @transform_6, window_bounds = array<i64: 1, 64, 128>}, {transform_indices = @transform_7, window_bounds = array<i64: 1, 64, 128>}, {transform_indices = @transform_8, window_bounds = array<i64: 1, 64, 128>}, {transform_indices = @transform_9, window_bounds = array<i64: 1, 64, 128>}, {transform_indices = @transform_10, window_bounds = array<i64: 1, 64, 128>}, {transform_indices = @transform_11, window_bounds = array<i64: 1, 64, 128>}, {pipeline_mode = #tpu.pipeline_mode<synchronous>, transform_indices = @transform_12, window_bounds = array<i64: 1, 512>}, {pipeline_mode = #tpu.pipeline_mode<synchronous>, transform_indices = @transform_13, window_bounds = array<i64: 1, 512>}, {pipeline_mode = #tpu.pipeline_mode<synchronous>, transform_indices = @transform_14, window_bounds = array<i64: 1024, 512>}, {pipeline_mode = #tpu.pipeline_mode<synchronous>, transform_indices = @transform_15, window_bounds = array<i64: 512, 512>}, {pipeline_mode = #tpu.pipeline_mode<synchronous>, transform_indices = @transform_16, window_bounds = array<i64: 1, 512>}, {transform_indices = @transform_17, window_bounds = array<i64: 64, 512>}, {pipeline_mode = #tpu.pipeline_mode<synchronous>, transform_indices = @transform_18, window_bounds = array<i64: 8, 512>}]} {
    %get3A = arith.constant 0 : index
    %get3A_0 = arith.constant 0 : index
    %get3A_1 = vector.load %arg1[%get3A, %get3A_0] : memref<8x512xf32, #tpu.memory_space<vmem>>, vector<1x512xf32>
    %get3A_2 = arith.constant 0 : index
    %get3A_3 = arith.constant 0 : index
    %get3A_4 = vector.load %arg3[%get3A_2, %get3A_3] : memref<512x32xf32, #tpu.memory_space<vmem>>, vector<512x32xf32>
    %dot_general3A = arith.constant dense<0.000000e+00> : vector<1x32xf32>
    %dot_general3A_5 = tpu.matmul %get3A_1, %get3A_4, %dot_general3A {dimension_numbers = #tpu.dot_dimension_numbers<[1], [0], [0], [1], [0, 0, 1, 1], [], []>, transpose_lhs_hint = false} : vector<1x512xf32>, vector<512x32xf32>, vector<1x32xf32> -> vector<1x32xf32>
    %mul3A = arith.constant 2.000000e-05 : f32
    %mul3A_6 = vector.broadcast %mul3A : f32 to vector<1x32xf32>
    %mul3A_7 = arith.mulf %dot_general3A_5, %mul3A_6 : vector<1x32xf32>
    %get3A_8 = arith.constant 1 : index
    %get3A_9 = arith.constant 0 : index
    %get3A_10 = vector.load %arg1[%get3A_8, %get3A_9] : memref<8x512xf32, #tpu.memory_space<vmem>>, vector<1x512xf32>
    %get3A_11 = arith.constant 0 : index
    %get3A_12 = arith.constant 0 : index
    %get3A_13 = vector.load %arg3[%get3A_11, %get3A_12] : memref<512x32xf32, #tpu.memory_space<vmem>>, vector<512x32xf32>
    %dot_general3A_14 = arith.constant dense<0.000000e+00> : vector<1x32xf32>
    %dot_general3A_15 = tpu.matmul %get3A_10, %get3A_13, %dot_general3A_14 {dimension_numbers = #tpu.dot_dimension_numbers<[1], [0], [0], [1], [0, 0, 1, 1], [], []>, transpose_lhs_hint = false} : vector<1x512xf32>, vector<512x32xf32>, vector<1x32xf32> -> vector<1x32xf32>
    %mul3A_16 = arith.constant 2.000000e-05 : f32
    %mul3A_17 = vector.broadcast %mul3A_16 : f32 to vector<1x32xf32>
    %mul3A_18 = arith.mulf %dot_general3A_15, %mul3A_17 : vector<1x32xf32>
    %mul3A_19 = arith.mulf %mul3A_7, %mul3A_7 : vector<1x32xf32>
    %sub3A = arith.subf %mul3A_18, %mul3A_19 : vector<1x32xf32>
    %add3A = arith.constant 9.99999974E-6 : f32
    %add3A_20 = vector.broadcast %add3A : f32 to vector<1x32xf32>
    %add3A_21 = arith.addf %sub3A, %add3A_20 : vector<1x32xf32>
    %rsqrt3A = math.rsqrt %add3A_21 : vector<1x32xf32>
    %get3A_22 = arith.constant 0 : index
    %get3A_23 = arith.constant 0 : index
    %get3A_24 = vector.load %arg4[%get3A_22, %get3A_23] : memref<32x512xf32, #tpu.memory_space<vmem>>, vector<32x512xf32>
    %dot_general3A_25 = arith.constant dense<0.000000e+00> : vector<1x512xf32>
    %dot_general3A_26 = tpu.matmul %rsqrt3A, %get3A_24, %dot_general3A_25 {dimension_numbers = #tpu.dot_dimension_numbers<[1], [0], [0], [1], [0, 0, 1, 1], [], []>, transpose_lhs_hint = false} : vector<1x32xf32>, vector<32x512xf32>, vector<1x512xf32> -> vector<1x512xf32>
    %mul3A_27 = arith.mulf %mul3A_7, %rsqrt3A : vector<1x32xf32>
    %get3A_28 = arith.constant 0 : index
    %get3A_29 = arith.constant 0 : index
    %get3A_30 = vector.load %arg4[%get3A_28, %get3A_29] : memref<32x512xf32, #tpu.memory_space<vmem>>, vector<32x512xf32>
    %dot_general3A_31 = arith.constant dense<0.000000e+00> : vector<1x512xf32>
    %dot_general3A_32 = tpu.matmul %mul3A_27, %get3A_30, %dot_general3A_31 {dimension_numbers = #tpu.dot_dimension_numbers<[1], [0], [0], [1], [0, 0, 1, 1], [], []>, transpose_lhs_hint = false} : vector<1x32xf32>, vector<32x512xf32>, vector<1x512xf32> -> vector<1x512xf32>
    %get3A_33 = arith.constant 0 : index
    %get3A_34 = arith.constant 0 : index
    %get3A_35 = vector.load %arg13[%get3A_33, %get3A_34] : memref<1x512xf32, #tpu.memory_space<vmem>>, vector<1x512xf32>
    %mul3A_36 = arith.mulf %dot_general3A_26, %get3A_35 : vector<1x512xf32>
    %get3A_37 = arith.constant 0 : index
    %get3A_38 = arith.constant 0 : index
    %get3A_39 = vector.load %arg14[%get3A_37, %get3A_38] : memref<1x512xf32, #tpu.memory_space<vmem>>, vector<1x512xf32>
    %get3A_40 = arith.constant 0 : index
    %get3A_41 = arith.constant 0 : index
    %get3A_42 = vector.load %arg13[%get3A_40, %get3A_41] : memref<1x512xf32, #tpu.memory_space<vmem>>, vector<1x512xf32>
    %mul3A_43 = arith.mulf %dot_general3A_32, %get3A_42 : vector<1x512xf32>
    %sub3A_44 = arith.subf %get3A_39, %mul3A_43 : vector<1x512xf32>
    %get3A_45 = arith.constant 0 : index
    %get3A_46 = arith.constant 0 : index
    %get3A_47 = vector.load %arg2[%get3A_45, %get3A_46] : memref<64x512xf32, #tpu.memory_space<vmem>>, vector<64x512xf32>
    %mul3A_48 = vector.broadcast %mul3A_36 : vector<1x512xf32> to vector<64x512xf32>
    %mul3A_49 = arith.mulf %get3A_47, %mul3A_48 : vector<64x512xf32>
    %add3A_50 = vector.broadcast %sub3A_44 : vector<1x512xf32> to vector<64x512xf32>
    %add3A_51 = arith.addf %mul3A_49, %add3A_50 : vector<64x512xf32>
    %ge3A = arith.constant 0.000000e+00 : f32
    %ge3A_52 = vector.broadcast %ge3A : f32 to vector<64x512xf32>
    %ge3A_53 = arith.cmpf oge, %add3A_51, %ge3A_52 : vector<64x512xf32>
    %mul3A_54 = arith.constant 0.00999999977 : f32
    %mul3A_55 = vector.broadcast %mul3A_54 : f32 to vector<64x512xf32>
    %mul3A_56 = arith.mulf %mul3A_55, %add3A_51 : vector<64x512xf32>
    %select_n3A = arith.select %ge3A_53, %add3A_51, %mul3A_56 : vector<64x512xi1>, vector<64x512xf32>
    %get3A_57 = arith.constant 0 : index
    %get3A_58 = arith.constant 0 : index
    %get3A_59 = arith.constant 0 : index
    %get3A_60 = vector.load %arg5[%get3A_57, %get3A_58, %get3A_59] : memref<1x64x128xf32, #tpu.memory_space<vmem>>, vector<1x64x128xf32>
    %get3A_61 = vector.shape_cast %get3A_60 : vector<1x64x128xf32> to vector<64x128xf32>
    %get3A_62 = arith.constant 0 : index
    %get3A_63 = arith.constant 0 : index
    %get3A_64 = arith.constant 0 : index
    %get3A_65 = vector.load %arg6[%get3A_62, %get3A_63, %get3A_64] : memref<1x64x128xf32, #tpu.memory_space<vmem>>, vector<1x64x128xf32>
    %get3A_66 = vector.shape_cast %get3A_65 : vector<1x64x128xf32> to vector<64x128xf32>
    %get3A_67 = arith.constant 0 : index
    %get3A_68 = arith.constant 0 : index
    %get3A_69 = arith.constant 0 : index
    %get3A_70 = vector.load %arg7[%get3A_67, %get3A_68, %get3A_69] : memref<1x64x128xf32, #tpu.memory_space<vmem>>, vector<1x64x128xf32>
    %get3A_71 = vector.shape_cast %get3A_70 : vector<1x64x128xf32> to vector<64x128xf32>
    %get3A_72 = arith.constant 0 : index
    %get3A_73 = arith.constant 0 : index
    %get3A_74 = arith.constant 0 : index
    %get3A_75 = vector.load %arg8[%get3A_72, %get3A_73, %get3A_74] : memref<1x64x128xf32, #tpu.memory_space<vmem>>, vector<1x64x128xf32>
    %get3A_76 = vector.shape_cast %get3A_75 : vector<1x64x128xf32> to vector<64x128xf32>
    %get3A_77 = arith.constant 0 : index
    %get3A_78 = arith.constant 0 : index
    %get3A_79 = arith.constant 0 : index
    %get3A_80 = vector.load %arg9[%get3A_77, %get3A_78, %get3A_79] : memref<1x64x128xf32, #tpu.memory_space<vmem>>, vector<1x64x128xf32>
    %get3A_81 = vector.shape_cast %get3A_80 : vector<1x64x128xf32> to vector<64x128xf32>
    %get3A_82 = arith.constant 0 : index
    %get3A_83 = arith.constant 0 : index
    %get3A_84 = arith.constant 0 : index
    %get3A_85 = vector.load %arg10[%get3A_82, %get3A_83, %get3A_84] : memref<1x64x128xf32, #tpu.memory_space<vmem>>, vector<1x64x128xf32>
    %get3A_86 = vector.shape_cast %get3A_85 : vector<1x64x128xf32> to vector<64x128xf32>
    %get3A_87 = arith.constant 0 : index
    %get3A_88 = arith.constant 0 : index
    %get3A_89 = arith.constant 0 : index
    %get3A_90 = vector.load %arg11[%get3A_87, %get3A_88, %get3A_89] : memref<1x64x128xf32, #tpu.memory_space<vmem>>, vector<1x64x128xf32>
    %get3A_91 = vector.shape_cast %get3A_90 : vector<1x64x128xf32> to vector<64x128xf32>
    %get3A_92 = arith.constant 0 : index
    %get3A_93 = arith.constant 0 : index
    %get3A_94 = arith.constant 0 : index
    %get3A_95 = vector.load %arg12[%get3A_92, %get3A_93, %get3A_94] : memref<1x64x128xf32, #tpu.memory_space<vmem>>, vector<1x64x128xf32>
    %get3A_96 = vector.shape_cast %get3A_95 : vector<1x64x128xf32> to vector<64x128xf32>
    %concatenate3A = tpu.concatenate %get3A_61, %get3A_66, %get3A_71, %get3A_76, %get3A_81, %get3A_86, %get3A_91, %get3A_96 in 1 : vector<64x128xf32>, vector<64x128xf32>, vector<64x128xf32>, vector<64x128xf32>, vector<64x128xf32>, vector<64x128xf32>, vector<64x128xf32>, vector<64x128xf32> -> vector<64x1024xf32>
    %get3A_97 = arith.constant 0 : index
    %get3A_98 = arith.constant 0 : index
    %get3A_99 = vector.load %arg15[%get3A_97, %get3A_98] : memref<1024x512xf32, #tpu.memory_space<vmem>>, vector<1024x512xf32>
    %dot_general3A_100 = arith.constant dense<0.000000e+00> : vector<64x512xf32>
    %dot_general3A_101 = tpu.matmul %concatenate3A, %get3A_99, %dot_general3A_100 {dimension_numbers = #tpu.dot_dimension_numbers<[1], [0], [0], [1], [0, 0, 1, 1], [], []>, transpose_lhs_hint = false} : vector<64x1024xf32>, vector<1024x512xf32>, vector<64x512xf32> -> vector<64x512xf32>
    %get3A_102 = arith.constant 0 : index
    %get3A_103 = arith.constant 0 : index
    %get3A_104 = vector.load %arg16[%get3A_102, %get3A_103] : memref<512x512xf32, #tpu.memory_space<vmem>>, vector<512x512xf32>
    %dot_general3A_105 = arith.constant dense<0.000000e+00> : vector<64x512xf32>
    %dot_general3A_106 = tpu.matmul %select_n3A, %get3A_104, %dot_general3A_105 {dimension_numbers = #tpu.dot_dimension_numbers<[1], [0], [0], [1], [0, 0, 1, 1], [], []>, transpose_lhs_hint = false} : vector<64x512xf32>, vector<512x512xf32>, vector<64x512xf32> -> vector<64x512xf32>
    %add3A_107 = arith.addf %dot_general3A_101, %dot_general3A_106 : vector<64x512xf32>
    %get3A_108 = arith.constant 0 : index
    %get3A_109 = arith.constant 0 : index
    %get3A_110 = vector.load %arg17[%get3A_108, %get3A_109] : memref<1x512xf32, #tpu.memory_space<vmem>>, vector<1x512xf32>
    %add3A_111 = vector.broadcast %get3A_110 : vector<1x512xf32> to vector<64x512xf32>
    %add3A_112 = arith.addf %add3A_107, %add3A_111 : vector<64x512xf32>
    %swap3A = arith.constant 0 : index
    %swap3A_113 = arith.constant 0 : index
    %swap3A_114 = vector.load %arg18[%swap3A, %swap3A_113] : memref<64x512xf32, #tpu.memory_space<vmem>>, vector<64x512xf32>
    tpu.vector_store %arg18[%swap3A, %swap3A_113], %add3A_112 {strides = array<i32>} : memref<64x512xf32, #tpu.memory_space<vmem>>, vector<64x512xf32>,
    %mul3A_115 = arith.constant 64 : i32
    %mul3A_116 = arith.muli %arg0, %mul3A_115 : i32
    %iota3A = tpu.iota {dimensions = array<i32: 0>} : vector<64x1xi32>
    %add3A_117 = vector.broadcast %mul3A_116 : i32 to vector<64x1xi32>
    %add3A_118 = arith.addi %add3A_117, %iota3A : vector<64x1xi32>
    %lt3A = arith.constant 3125 : i32
    %lt3A_119 = vector.broadcast %lt3A : i32 to vector<64x1xi32>
    %lt3A_120 = arith.cmpi slt, %add3A_118, %lt3A_119 : vector<64x1xi32>
    %jit3A = arith.constant 0.000000e+00 : f32
    %broadcast_in_dim3A = vector.shape_cast %lt3A_120 : vector<64x1xi1> to vector<64x1xi1>
    %broadcast_in_dim3A_121 = vector.broadcast %broadcast_in_dim3A : vector<64x1xi1> to vector<64x512xi1>
    %broadcast_in_dim3A_122 = vector.broadcast %jit3A : f32 to vector<64x512xf32>
    %select_n3A_123 = arith.select %broadcast_in_dim3A_121, %add3A_112, %broadcast_in_dim3A_122 : vector<64x512xi1>, vector<64x512xf32>
    %eq3A = arith.constant 0 : i32
    %eq3A_124 = arith.cmpi eq, %arg0, %eq3A : i32
    %convert_element_type3A = arith.extui %eq3A_124 : i1 to i32
    %cond3A = arith.constant 0 : i32
    %cond3A_125 = arith.cmpi ne, %convert_element_type3A, %cond3A : i32
    scf.if %cond3A_125 {
      %broadcast_in_dim3A_146 = arith.constant 0.000000e+00 : f32
      %broadcast_in_dim3A_147 = vector.broadcast %broadcast_in_dim3A_146 : f32 to vector<8x512xf32>
      %swap3A_148 = arith.constant 0 : index
      %swap3A_149 = arith.constant 0 : index
      %swap3A_150 = vector.load %arg19[%swap3A_148, %swap3A_149] : memref<8x512xf32, #tpu.memory_space<vmem>>, vector<8x512xf32>
      tpu.vector_store %arg19[%swap3A_148, %swap3A_149], %broadcast_in_dim3A_147 {strides = array<i32>} : memref<8x512xf32, #tpu.memory_space<vmem>>, vector<8x512xf32>,
    } else {
    }
    %get3A_126 = arith.constant 0 : index
    %get3A_127 = arith.constant 0 : index
    %get3A_128 = vector.load %arg19[%get3A_126, %get3A_127] : memref<8x512xf32, #tpu.memory_space<vmem>>, vector<1x512xf32>
    %reduce_sum3A = arith.constant dense<0.000000e+00> : vector<512xf32>
    %reduce_sum3A_129 = vector.multi_reduction <add>, %select_n3A_123, %reduce_sum3A [0] : vector<64x512xf32> to vector<512xf32>
    %broadcast_in_dim3A_130 = vector.shape_cast %reduce_sum3A_129 : vector<512xf32> to vector<1x512xf32>
    %add3A_131 = arith.addf %get3A_128, %broadcast_in_dim3A_130 : vector<1x512xf32>
    %swap3A_132 = arith.constant 0 : index
    %swap3A_133 = arith.constant 0 : index
    %swap3A_134 = vector.load %arg19[%swap3A_132, %swap3A_133] : memref<8x512xf32, #tpu.memory_space<vmem>>, vector<1x512xf32>
    tpu.vector_store %arg19[%swap3A_132, %swap3A_133], %add3A_131 {strides = array<i32>} : memref<8x512xf32, #tpu.memory_space<vmem>>, vector<1x512xf32>,
    %get3A_135 = arith.constant 1 : index
    %get3A_136 = arith.constant 0 : index
    %get3A_137 = vector.load %arg19[%get3A_135, %get3A_136] : memref<8x512xf32, #tpu.memory_space<vmem>>, vector<1x512xf32>
    %mul3A_138 = arith.mulf %select_n3A_123, %select_n3A_123 : vector<64x512xf32>
    %reduce_sum3A_139 = arith.constant dense<0.000000e+00> : vector<512xf32>
    %reduce_sum3A_140 = vector.multi_reduction <add>, %mul3A_138, %reduce_sum3A_139 [0] : vector<64x512xf32> to vector<512xf32>
    %broadcast_in_dim3A_141 = vector.shape_cast %reduce_sum3A_140 : vector<512xf32> to vector<1x512xf32>
    %add3A_142 = arith.addf %get3A_137, %broadcast_in_dim3A_141 : vector<1x512xf32>
    %swap3A_143 = arith.constant 1 : index
    %swap3A_144 = arith.constant 0 : index
    %swap3A_145 = vector.load %arg19[%swap3A_143, %swap3A_144] : memref<8x512xf32, #tpu.memory_space<vmem>>, vector<1x512xf32>
    tpu.vector_store %arg19[%swap3A_143, %swap3A_144], %add3A_142 {strides = array<i32>} : memref<8x512xf32, #tpu.memory_space<vmem>>, vector<1x512xf32>,
    return
  }
  func.func @transform_0(%arg0: i32) -> (i32, i32) {
    %c0_i32 = arith.constant 0 : i32
    %c0_i32_0 = arith.constant 0 : i32
    %c0_i32_1 = arith.constant 0 : i32
    return %c0_i32, %c0_i32_0 : i32, i32
  }
  func.func @transform_1(%arg0: i32) -> (i32, i32) {
    %c0_i32 = arith.constant 0 : i32
    %c0_i32_0 = arith.constant 0 : i32
    return %arg0, %c0_i32 : i32, i32
  }
  func.func @transform_2(%arg0: i32) -> (i32, i32) {
    %c0_i32 = arith.constant 0 : i32
    %c0_i32_0 = arith.constant 0 : i32
    %c0_i32_1 = arith.constant 0 : i32
    return %c0_i32, %c0_i32_0 : i32, i32
  }
  func.func @transform_3(%arg0: i32) -> (i32, i32) {
    %c0_i32 = arith.constant 0 : i32
    %c0_i32_0 = arith.constant 0 : i32
    %c0_i32_1 = arith.constant 0 : i32
    return %c0_i32, %c0_i32_0 : i32, i32
  }
  func.func @transform_4(%arg0: i32) -> (i32, i32, i32) {
    %c0_i32 = arith.constant 0 : i32
    %c0_i32_0 = arith.constant 0 : i32
    %c0_i32_1 = arith.constant 0 : i32
    return %c0_i32, %arg0, %c0_i32_0 : i32, i32, i32
  }
  func.func @transform_5(%arg0: i32) -> (i32, i32, i32) {
    %c0_i32 = arith.constant 0 : i32
    %c1_i32 = arith.constant 1 : i32
    %c0_i32_0 = arith.constant 0 : i32
    return %c0_i32, %arg0, %c1_i32 : i32, i32, i32
  }
  func.func @transform_6(%arg0: i32) -> (i32, i32, i32) {
    %c0_i32 = arith.constant 0 : i32
    %c2_i32 = arith.constant 2 : i32
    %c0_i32_0 = arith.constant 0 : i32
    return %c0_i32, %arg0, %c2_i32 : i32, i32, i32
  }
  func.func @transform_7(%arg0: i32) -> (i32, i32, i32) {
    %c0_i32 = arith.constant 0 : i32
    %c3_i32 = arith.constant 3 : i32
    %c0_i32_0 = arith.constant 0 : i32
    return %c0_i32, %arg0, %c3_i32 : i32, i32, i32
  }
  func.func @transform_8(%arg0: i32) -> (i32, i32, i32) {
    %c1_i32 = arith.constant 1 : i32
    %c0_i32 = arith.constant 0 : i32
    %c0_i32_0 = arith.constant 0 : i32
    return %c1_i32, %arg0, %c0_i32 : i32, i32, i32
  }
  func.func @transform_9(%arg0: i32) -> (i32, i32, i32) {
    %c1_i32 = arith.constant 1 : i32
    %c1_i32_0 = arith.constant 1 : i32
    %c0_i32 = arith.constant 0 : i32
    return %c1_i32, %arg0, %c1_i32_0 : i32, i32, i32
  }
  func.func @transform_10(%arg0: i32) -> (i32, i32, i32) {
    %c1_i32 = arith.constant 1 : i32
    %c2_i32 = arith.constant 2 : i32
    %c0_i32 = arith.constant 0 : i32
    return %c1_i32, %arg0, %c2_i32 : i32, i32, i32
  }
  func.func @transform_11(%arg0: i32) -> (i32, i32, i32) {
    %c1_i32 = arith.constant 1 : i32
    %c3_i32 = arith.constant 3 : i32
    %c0_i32 = arith.constant 0 : i32
    return %c1_i32, %arg0, %c3_i32 : i32, i32, i32
  }
  func.func @transform_12(%arg0: i32) -> (i32, i32) {
    %c0_i32 = arith.constant 0 : i32
    %c0_i32_0 = arith.constant 0 : i32
    %c0_i32_1 = arith.constant 0 : i32
    return %c0_i32, %c0_i32_0 : i32, i32
  }
  func.func @transform_13(%arg0: i32) -> (i32, i32) {
    %c0_i32 = arith.constant 0 : i32
    %c0_i32_0 = arith.constant 0 : i32
    %c0_i32_1 = arith.constant 0 : i32
    return %c0_i32, %c0_i32_0 : i32, i32
  }
  func.func @transform_14(%arg0: i32) -> (i32, i32) {
    %c0_i32 = arith.constant 0 : i32
    %c0_i32_0 = arith.constant 0 : i32
    %c0_i32_1 = arith.constant 0 : i32
    return %c0_i32, %c0_i32_0 : i32, i32
  }
  func.func @transform_15(%arg0: i32) -> (i32, i32) {
    %c0_i32 = arith.constant 0 : i32
    %c0_i32_0 = arith.constant 0 : i32
    %c0_i32_1 = arith.constant 0 : i32
    return %c0_i32, %c0_i32_0 : i32, i32
  }
  func.func @transform_16(%arg0: i32) -> (i32, i32) {
    %c0_i32 = arith.constant 0 : i32
    %c0_i32_0 = arith.constant 0 : i32
    %c0_i32_1 = arith.constant 0 : i32
    return %c0_i32, %c0_i32_0 : i32, i32
  }
  func.func @transform_17(%arg0: i32) -> (i32, i32) {
    %c0_i32 = arith.constant 0 : i32
    %c0_i32_0 = arith.constant 0 : i32
    return %arg0, %c0_i32 : i32, i32
  }
  func.func @transform_18(%arg0: i32) -> (i32, i32) {
    %c0_i32 = arith.constant 0 : i32
    %c0_i32_0 = arith.constant 0 : i32
    %c0_i32_1 = arith.constant 0 : i32
    return %c0_i32, %c0_i32_0 : i32, i32
  }
}

module attributes {stable_mosaic.version = 14 : i64} {
  func.func @_zlayer_body(%arg0: i32, %arg1: memref<8x512xf32, #tpu.memory_space<vmem>>, %arg2: memref<64x512xf32, #tpu.memory_space<vmem>>, %arg3: memref<512x32xf32, #tpu.memory_space<vmem>>, %arg4: memref<32x512xf32, #tpu.memory_space<vmem>>, %arg5: memref<1x512xf32, #tpu.memory_space<vmem>>, %arg6: memref<1x512xf32, #tpu.memory_space<vmem>>, %arg7: memref<512x16xf32, #tpu.memory_space<vmem>>, %arg8: memref<1x1xf32, #tpu.memory_space<vmem>>, %arg9: memref<64x16xf32, #tpu.memory_space<vmem>>) attributes {dimension_semantics = [#tpu.dimension_semantics<arbitrary>], iteration_bounds = array<i64: 50>, scalar_prefetch = 0 : i64, scratch_operands = 0 : i64, tpu.core_type = #tpu.core_type<tc>, window_params = [{pipeline_mode = #tpu.pipeline_mode<synchronous>, transform_indices = @transform_0, window_bounds = array<i64: 8, 512>}, {transform_indices = @transform_1, window_bounds = array<i64: 64, 512>}, {pipeline_mode = #tpu.pipeline_mode<synchronous>, transform_indices = @transform_2, window_bounds = array<i64: 512, 32>}, {pipeline_mode = #tpu.pipeline_mode<synchronous>, transform_indices = @transform_3, window_bounds = array<i64: 32, 512>}, {pipeline_mode = #tpu.pipeline_mode<synchronous>, transform_indices = @transform_4, window_bounds = array<i64: 1, 512>}, {pipeline_mode = #tpu.pipeline_mode<synchronous>, transform_indices = @transform_5, window_bounds = array<i64: 1, 512>}, {pipeline_mode = #tpu.pipeline_mode<synchronous>, transform_indices = @transform_6, window_bounds = array<i64: 512, 16>}, {pipeline_mode = #tpu.pipeline_mode<synchronous>, transform_indices = @transform_7, window_bounds = array<i64: 1, 1>}, {transform_indices = @transform_8, window_bounds = array<i64: 64, 16>}]} {
    %get3A = arith.constant 0 : index
    %get3A_0 = arith.constant 0 : index
    %get3A_1 = vector.load %arg1[%get3A, %get3A_0] : memref<8x512xf32, #tpu.memory_space<vmem>>, vector<1x512xf32>
    %get3A_2 = arith.constant 0 : index
    %get3A_3 = arith.constant 0 : index
    %get3A_4 = vector.load %arg3[%get3A_2, %get3A_3] : memref<512x32xf32, #tpu.memory_space<vmem>>, vector<512x32xf32>
    %dot_general3A = arith.constant dense<0.000000e+00> : vector<1x32xf32>
    %dot_general3A_5 = tpu.matmul %get3A_1, %get3A_4, %dot_general3A {dimension_numbers = #tpu.dot_dimension_numbers<[1], [0], [0], [1], [0, 0, 1, 1], [], []>, transpose_lhs_hint = false} : vector<1x512xf32>, vector<512x32xf32>, vector<1x32xf32> -> vector<1x32xf32>
    %mul3A = arith.constant 2.000000e-05 : f32
    %mul3A_6 = vector.broadcast %mul3A : f32 to vector<1x32xf32>
    %mul3A_7 = arith.mulf %dot_general3A_5, %mul3A_6 : vector<1x32xf32>
    %get3A_8 = arith.constant 1 : index
    %get3A_9 = arith.constant 0 : index
    %get3A_10 = vector.load %arg1[%get3A_8, %get3A_9] : memref<8x512xf32, #tpu.memory_space<vmem>>, vector<1x512xf32>
    %get3A_11 = arith.constant 0 : index
    %get3A_12 = arith.constant 0 : index
    %get3A_13 = vector.load %arg3[%get3A_11, %get3A_12] : memref<512x32xf32, #tpu.memory_space<vmem>>, vector<512x32xf32>
    %dot_general3A_14 = arith.constant dense<0.000000e+00> : vector<1x32xf32>
    %dot_general3A_15 = tpu.matmul %get3A_10, %get3A_13, %dot_general3A_14 {dimension_numbers = #tpu.dot_dimension_numbers<[1], [0], [0], [1], [0, 0, 1, 1], [], []>, transpose_lhs_hint = false} : vector<1x512xf32>, vector<512x32xf32>, vector<1x32xf32> -> vector<1x32xf32>
    %mul3A_16 = arith.constant 2.000000e-05 : f32
    %mul3A_17 = vector.broadcast %mul3A_16 : f32 to vector<1x32xf32>
    %mul3A_18 = arith.mulf %dot_general3A_15, %mul3A_17 : vector<1x32xf32>
    %mul3A_19 = arith.mulf %mul3A_7, %mul3A_7 : vector<1x32xf32>
    %sub3A = arith.subf %mul3A_18, %mul3A_19 : vector<1x32xf32>
    %add3A = arith.constant 9.99999974E-6 : f32
    %add3A_20 = vector.broadcast %add3A : f32 to vector<1x32xf32>
    %add3A_21 = arith.addf %sub3A, %add3A_20 : vector<1x32xf32>
    %rsqrt3A = math.rsqrt %add3A_21 : vector<1x32xf32>
    %get3A_22 = arith.constant 0 : index
    %get3A_23 = arith.constant 0 : index
    %get3A_24 = vector.load %arg4[%get3A_22, %get3A_23] : memref<32x512xf32, #tpu.memory_space<vmem>>, vector<32x512xf32>
    %dot_general3A_25 = arith.constant dense<0.000000e+00> : vector<1x512xf32>
    %dot_general3A_26 = tpu.matmul %rsqrt3A, %get3A_24, %dot_general3A_25 {dimension_numbers = #tpu.dot_dimension_numbers<[1], [0], [0], [1], [0, 0, 1, 1], [], []>, transpose_lhs_hint = false} : vector<1x32xf32>, vector<32x512xf32>, vector<1x512xf32> -> vector<1x512xf32>
    %mul3A_27 = arith.mulf %mul3A_7, %rsqrt3A : vector<1x32xf32>
    %get3A_28 = arith.constant 0 : index
    %get3A_29 = arith.constant 0 : index
    %get3A_30 = vector.load %arg4[%get3A_28, %get3A_29] : memref<32x512xf32, #tpu.memory_space<vmem>>, vector<32x512xf32>
    %dot_general3A_31 = arith.constant dense<0.000000e+00> : vector<1x512xf32>
    %dot_general3A_32 = tpu.matmul %mul3A_27, %get3A_30, %dot_general3A_31 {dimension_numbers = #tpu.dot_dimension_numbers<[1], [0], [0], [1], [0, 0, 1, 1], [], []>, transpose_lhs_hint = false} : vector<1x32xf32>, vector<32x512xf32>, vector<1x512xf32> -> vector<1x512xf32>
    %get3A_33 = arith.constant 0 : index
    %get3A_34 = arith.constant 0 : index
    %get3A_35 = vector.load %arg5[%get3A_33, %get3A_34] : memref<1x512xf32, #tpu.memory_space<vmem>>, vector<1x512xf32>
    %mul3A_36 = arith.mulf %dot_general3A_26, %get3A_35 : vector<1x512xf32>
    %get3A_37 = arith.constant 0 : index
    %get3A_38 = arith.constant 0 : index
    %get3A_39 = vector.load %arg6[%get3A_37, %get3A_38] : memref<1x512xf32, #tpu.memory_space<vmem>>, vector<1x512xf32>
    %get3A_40 = arith.constant 0 : index
    %get3A_41 = arith.constant 0 : index
    %get3A_42 = vector.load %arg5[%get3A_40, %get3A_41] : memref<1x512xf32, #tpu.memory_space<vmem>>, vector<1x512xf32>
    %mul3A_43 = arith.mulf %dot_general3A_32, %get3A_42 : vector<1x512xf32>
    %sub3A_44 = arith.subf %get3A_39, %mul3A_43 : vector<1x512xf32>
    %get3A_45 = arith.constant 0 : index
    %get3A_46 = arith.constant 0 : index
    %get3A_47 = vector.load %arg2[%get3A_45, %get3A_46] : memref<64x512xf32, #tpu.memory_space<vmem>>, vector<64x512xf32>
    %mul3A_48 = vector.broadcast %mul3A_36 : vector<1x512xf32> to vector<64x512xf32>
    %mul3A_49 = arith.mulf %get3A_47, %mul3A_48 : vector<64x512xf32>
    %add3A_50 = vector.broadcast %sub3A_44 : vector<1x512xf32> to vector<64x512xf32>
    %add3A_51 = arith.addf %mul3A_49, %add3A_50 : vector<64x512xf32>
    %ge3A = arith.constant 0.000000e+00 : f32
    %ge3A_52 = vector.broadcast %ge3A : f32 to vector<64x512xf32>
    %ge3A_53 = arith.cmpf oge, %add3A_51, %ge3A_52 : vector<64x512xf32>
    %mul3A_54 = arith.constant 0.00999999977 : f32
    %mul3A_55 = vector.broadcast %mul3A_54 : f32 to vector<64x512xf32>
    %mul3A_56 = arith.mulf %mul3A_55, %add3A_51 : vector<64x512xf32>
    %select_n3A = arith.select %ge3A_53, %add3A_51, %mul3A_56 : vector<64x512xi1>, vector<64x512xf32>
    %get3A_57 = arith.constant 0 : index
    %get3A_58 = arith.constant 0 : index
    %get3A_59 = vector.load %arg7[%get3A_57, %get3A_58] : memref<512x16xf32, #tpu.memory_space<vmem>>, vector<512x16xf32>
    %dot_general3A_60 = arith.constant dense<0.000000e+00> : vector<64x16xf32>
    %dot_general3A_61 = tpu.matmul %select_n3A, %get3A_59, %dot_general3A_60 {dimension_numbers = #tpu.dot_dimension_numbers<[1], [0], [0], [1], [0, 0, 1, 1], [], []>, transpose_lhs_hint = false} : vector<64x512xf32>, vector<512x16xf32>, vector<64x16xf32> -> vector<64x16xf32>
    %get3A_62 = arith.constant 0 : index
    %get3A_63 = arith.constant 0 : index
    %get3A_64 = vector.load %arg8[%get3A_62, %get3A_63] : memref<1x1xf32, #tpu.memory_space<vmem>>, vector<1x1xf32>
    %add3A_65 = vector.broadcast %get3A_64 : vector<1x1xf32> to vector<64x16xf32>
    %add3A_66 = arith.addf %dot_general3A_61, %add3A_65 : vector<64x16xf32>
    %neg3A = arith.constant 0.000000e+00 : f32
    %neg3A_67 = vector.broadcast %neg3A : f32 to vector<64x16xf32>
    %neg3A_68 = arith.subf %neg3A_67, %add3A_66 : vector<64x16xf32>
    %exp3A = math.exp %neg3A_68 : vector<64x16xf32>
    %add3A_69 = arith.constant 1.000000e+00 : f32
    %add3A_70 = vector.broadcast %add3A_69 : f32 to vector<64x16xf32>
    %add3A_71 = arith.addf %add3A_70, %exp3A : vector<64x16xf32>
    %div3A = arith.constant 1.000000e+00 : f32
    %div3A_72 = vector.broadcast %div3A : f32 to vector<64x16xf32>
    %div3A_73 = arith.divf %div3A_72, %add3A_71 : vector<64x16xf32>
    %swap3A = arith.constant 0 : index
    %swap3A_74 = arith.constant 0 : index
    %swap3A_75 = vector.load %arg9[%swap3A, %swap3A_74] : memref<64x16xf32, #tpu.memory_space<vmem>>, vector<64x16xf32>
    tpu.vector_store %arg9[%swap3A, %swap3A_74], %div3A_73 {strides = array<i32>} : memref<64x16xf32, #tpu.memory_space<vmem>>, vector<64x16xf32>,
    return
  }
  func.func @transform_0(%arg0: i32) -> (i32, i32) {
    %c0_i32 = arith.constant 0 : i32
    %c0_i32_0 = arith.constant 0 : i32
    %c0_i32_1 = arith.constant 0 : i32
    return %c0_i32, %c0_i32_0 : i32, i32
  }
  func.func @transform_1(%arg0: i32) -> (i32, i32) {
    %c0_i32 = arith.constant 0 : i32
    %c0_i32_0 = arith.constant 0 : i32
    return %arg0, %c0_i32 : i32, i32
  }
  func.func @transform_2(%arg0: i32) -> (i32, i32) {
    %c0_i32 = arith.constant 0 : i32
    %c0_i32_0 = arith.constant 0 : i32
    %c0_i32_1 = arith.constant 0 : i32
    return %c0_i32, %c0_i32_0 : i32, i32
  }
  func.func @transform_3(%arg0: i32) -> (i32, i32) {
    %c0_i32 = arith.constant 0 : i32
    %c0_i32_0 = arith.constant 0 : i32
    %c0_i32_1 = arith.constant 0 : i32
    return %c0_i32, %c0_i32_0 : i32, i32
  }
  func.func @transform_4(%arg0: i32) -> (i32, i32) {
    %c0_i32 = arith.constant 0 : i32
    %c0_i32_0 = arith.constant 0 : i32
    %c0_i32_1 = arith.constant 0 : i32
    return %c0_i32, %c0_i32_0 : i32, i32
  }
  func.func @transform_5(%arg0: i32) -> (i32, i32) {
    %c0_i32 = arith.constant 0 : i32
    %c0_i32_0 = arith.constant 0 : i32
    %c0_i32_1 = arith.constant 0 : i32
    return %c0_i32, %c0_i32_0 : i32, i32
  }
  func.func @transform_6(%arg0: i32) -> (i32, i32) {
    %c0_i32 = arith.constant 0 : i32
    %c0_i32_0 = arith.constant 0 : i32
    %c0_i32_1 = arith.constant 0 : i32
    return %c0_i32, %c0_i32_0 : i32, i32
  }
  func.func @transform_7(%arg0: i32) -> (i32, i32) {
    %c0_i32 = arith.constant 0 : i32
    %c0_i32_0 = arith.constant 0 : i32
    %c0_i32_1 = arith.constant 0 : i32
    return %c0_i32, %c0_i32_0 : i32, i32
  }
  func.func @transform_8(%arg0: i32) -> (i32, i32) {
    %c0_i32 = arith.constant 0 : i32
    %c0_i32_0 = arith.constant 0 : i32
    return %arg0, %c0_i32 : i32, i32
  }
}

</mosaic_0001>

<sc_bundles>
// kernel: kernel.7.cloned.1.call-start
scs
__scs_entry_jumppad:
0x0: {  	(pc) =	sbr.rel $0x88, $3  }
0x1: {  	(tag) =	ssettag $0x0;
	lr =	simm.s32 $0x1  }
0x2: {  	[smem:$0x3F92] =	sst lr;
	_ =	strace $0xD0000000  }
0x3: {  	_ = 	snop  }
0x4: {  	_ = 	snop  }
0x5: {  	_ = 	snop  }
0x6: {  	_ = 	snop  }
0x7: {  	_ = 	snop  }
__scs_overlays_trampoline_lowered:
0x8: {  	[smem:$0x3FA1] =	sst s0  }
0x9: {  	[smem:$0x3FA2] =	sst s1  }
0xa: {  	[smem:$0x3FA3] =	sst s2  }
0xb: {  	[smem:$0x3FA4] =	sst s3  }
0xc: {  	[smem:$0x3FA5] =	sst s4  }
0xd: {  	[smem:$0x3FA6] =	sst s5  }
0xe: {  	[smem:$0x3FA7] =	sst s6  }
0xf: {  	[smem:$0x3FA8] =	sst s7  }
0x10: {  	[smem:$0x3FA9] =	sst s8  }
0x11: {  	[smem:$0x3FAA] =	sst s9;
	s0 =	simm.s32 @!p0 $0x0  }
0x12: {  	s1 =	sld [smem:$0x3F90];
	s0 =	simm.s32 @p0 $0x1  }
0x13: {  	[smem:$0x3FAB] =	sst s0;
	s0 =	simm.s32 @!p1 $0x0  }
0x14: {  	s2 =	sld [smem:$0x3F8F];
	s0 =	simm.s32 @p1 $0x1  }
0x15: {  	[smem:$0x3FAC] =	sst s0;
	s0 =	simm.s32 @!p2 $0x0  }
0x16: {  	s3 =	sld [smem:$0x3FDB];
	s0 =	simm.s32 @p2 $0x1  }
0x17: {  	s4 =	simm.s32 $0x1BF5;
	[smem:$0x3FAE] =	sst s0  }
0x18: {  	s0 =	sld [smem:$0x3F91];
	_ =	swait.ge [sflag:s4], $0x0  }
0x19: {  	s7 =	sld [smem:$0x3F92]  }
0x1a: {  	s8 =	sadd.s32 $0xFFFFE003, lr  }
0x1b: {  	s9 =	sadd.s32 $0xFFFFFEF7, lr;
	s5 =	simm.s32 $0xFFFFFFFF;
	p2 =	slt.u32 s8, $0xFFFFF086  }
0x1c: {  	p1 =	slt.u32 s9, $0xF7A;
	s5 =	simm.s32 @!p2 $0x0  }
0x1d: {  	s5 =	simm.s32 @p1 $0x1;
	p0 =	seq.s32 s7, s2  }
0x1e: {  	s7 =	smul.u32 @!p0 $0xF7A, s2;
	p2 =	seq.s32 @!p0 s5, $0x0  }
0x1f: {  	s9 =	smul.u32 $0xF7A, s1;
	s8 =	simm.s32 @!p0 $0x1BF5;
	p2 =	por !p2, p0  }
0x20: {  	[sflag:s8] =	ssyncset.s32 @!p0 $0xFFFFF086;
	s6 =	sadd.s32 @!p0 s3, s7;
	s7 =	simm.s32 @!p0 $0x108  }
0x21: {  	s3 =	sadd.s32 s3, s9;
	s6 =	sadd.s32 @!p0 $0x88, s6;
	s7 =	simm.s32 @p2 $0x1082  }
0x22: {  	[simem:s7], [sflag:s8] =	dma.local @!p0 [hbm:s6], $0xF7A  }
0x23: {  	s9 =	sor.u32 $0xD0000000, s2;
	s6 =	simm.s32 $0x108;
	_ =	swait.ge @!p0 [sflag:s8], $0x0  }
0x24: {  	s3 =	sadd.s32 $0x88, s3;
	s6 =	simm.s32 @!p1 $0x1082;
	[sflag:s4] =	ssyncset.s32 $0xFFFFF086  }
0x25: {  	[simem:s6], [sflag:s4] =	dma.local [hbm:s3], $0xF7A  }
0x26: {  	[smem:$0x3F92] =	sst s1;
	(tag) =	ssettag s2;
	_ =	strace s9  }
0x27: {  	s1 =	sld [smem:$0x3FA2]  }
0x28: {  	s2 =	sld [smem:$0x3FA3]  }
0x29: {  	s4 =	sld [smem:$0x3FA5]  }
0x2a: {  	p0 =	seq.s32 s5, $0x0;
	s5 =	sld [smem:$0x3FA6]  }
0x2b: {  	s6 =	sld [smem:$0x3FA7]  }
0x2c: {  	s7 =	sld [smem:$0x3FA8]  }
0x2d: {  	s3 =	simm.s32 $0x108;
	s8 =	sld [smem:$0x3FA9]  }
0x2e: {  	s3 =	simm.s32 @!p0 $0x1082;
	s9 =	sld [smem:$0x3FAA]  }
0x2f: {  	lr =	sadd.s32 s0, s3;
	s0 =	sld [smem:$0x3FA1]  }
0x30: {  	s3 =	sld [smem:$0x3FA4]  }
0x31: {  	[smem:$0x3FAD] =	sst s10  }
0x32: {  	s10 =	sld [smem:$0x3FAB];
	_ =	sdelay $0x3  }
0x33: {  	p0 =	seq.s32 s10, $0x1;
	s10 =	sld [smem:$0x3FAD];
	_ =	sdelay $0x3  }
0x34: {  	[smem:$0x3FAD] =	sst s10  }
0x35: {  	s10 =	sld [smem:$0x3FAC];
	_ =	sdelay $0x3  }
0x36: {  	p1 =	seq.s32 s10, $0x1;
	s10 =	sld [smem:$0x3FAD];
	_ =	sdelay $0x3  }
0x37: {  	[smem:$0x3FAD] =	sst s10  }
0x38: {  	s10 =	sld [smem:$0x3FAE]  }
0x39: {  	_ = 	snop;
	(pc) =	sbr.ind lr, $3  }
0x3a: {  	_ = 	snop  }
0x3b: {  	_ = 	snop  }
0x3c: {  	p2 =	seq.s32 s10, $0x1;
	s10 =	sld [smem:$0x3FAD]  }
0x3d: {  	_ =	shalt  }
0x3e: {  	_ =	shalt  }
0x3f: {  	_ =	shalt  }
0x40: {  	_ =	shalt  }
0x41: {  	_ =	shalt  }
0x42: {  	_ =	shalt  }
0x43: {  	_ =	shalt  }
0x44: {  	_ =	shalt  }
0x45: {  	_ =	shalt  }
0x46: {  	_ =	shalt  }
0x47: {  	_ =	shalt  }
0x48: {  	_ =	shalt  }
0x49: {  	_ =	shalt  }
0x4a: {  	_ =	shalt  }
0x4b: {  	_ =	shalt  }
0x4c: {  	_ =	shalt  }
0x4d: {  	_ =	shalt  }
0x4e: {  	_ =	shalt  }
0x4f: {  	_ =	shalt  }
0x50: {  	_ =	shalt  }
0x51: {  	_ =	shalt  }
0x52: {  	_ =	shalt  }
0x53: {  	_ =	shalt  }
0x54: {  	_ =	shalt  }
0x55: {  	_ =	shalt  }
0x56: {  	_ =	shalt  }
0x57: {  	_ =	shalt  }
0x58: {  	_ =	shalt  }
0x59: {  	_ =	shalt  }
0x5a: {  	_ =	shalt  }
0x5b: {  	_ =	shalt  }
0x5c: {  	_ =	shalt  }
0x5d: {  	_ =	shalt  }
0x5e: {  	_ =	shalt  }
0x5f: {  	_ =	shalt  }
0x60: {  	_ =	shalt  }
0x61: {  	_ =	shalt  }
0x62: {  	_ =	shalt  }
0x63: {  	_ =	shalt  }
0x64: {  	_ =	shalt  }
0x65: {  	_ =	shalt  }
0x66: {  	_ =	shalt  }
0x67: {  	_ =	shalt  }
0x68: {  	_ =	shalt  }
0x69: {  	_ =	shalt  }
0x6a: {  	_ =	shalt  }
0x6b: {  	_ =	shalt  }
0x6c: {  	_ =	shalt  }
0x6d: {  	_ =	shalt  }
0x6e: {  	_ =	shalt  }
0x6f: {  	_ =	shalt  }
0x70: {  	_ =	shalt  }
0x71: {  	_ =	shalt  }
0x72: {  	_ =	shalt  }
0x73: {  	_ =	shalt  }
0x74: {  	_ =	shalt  }
0x75: {  	_ =	shalt  }
0x76: {  	_ =	shalt  }
0x77: {  	_ =	shalt  }
0x78: {  	_ =	shalt  }
0x79: {  	_ =	shalt  }
0x7a: {  	_ =	shalt  }
0x7b: {  	_ =	shalt  }
0x7c: {  	_ =	shalt  }
0x7d: {  	_ =	shalt  }
0x7e: {  	_ =	shalt  }
0x7f: {  	_ =	shalt  }
0x80: {  	_ =	shalt  }
0x81: {  	_ =	shalt  }
0x82: {  	_ =	shalt  }
0x83: {  	_ =	shalt  }
0x84: {  	_ =	shalt  }
0x85: {  	_ =	shalt  }
0x86: {  	_ =	shalt  }
0x87: {  	_ =	shalt  }
.Lfunc_end0:
.L_simem_size_0:
called_computation_lowered:
.L_overlay_start_0:
0x88: {  	s2 =	sld [smem:$0x3FD9]  }
0x89: {  	s3 =	sld [smem:$0x3FFE];
	_ =	sdelay $0x1  }
0x8a: {  	s1 =	srdreg.scid  }
0x8b: {  	s0 =	sand.u32 $0x1, s1  }
0x8c: {  	s17 =	sshll.u32 s0, $0xA;
	s2 =	sadd.s32 s3, s2  }
0x8d: {  	s2 =	sadd.s32 s2, s17  }
0x8e: {  	[smem:$0x3FB9] =	sst s2  }
0x8f: {  	_ = 	snop  }
0x90: {  	s2 =	sld [smem:$0x3FD0];
	(tm) =	ssettm $0x1  }
0x91: {  	s18 =	sld [smem:$0x3FFB];
	_ =	sdelay $0x3  }
0x92: {  	_ =	strace s18  }
0x93: {  	s3 =	sld [smem:$0x3FFC];
	_ =	sdelay $0x3  }
0x94: {  	_ =	strace s3  }
0x95: {  	s3 =	sld [smem:$0x3FFD];
	_ =	sdelay $0x3  }
0x96: {  	_ =	strace s3  }
0x97: {  	_ =	strace $0x8FFFFFFF  }
0x98: {  	s19 =	sld [smem:$0x3FDB];
	_ =	sdelay $0x1  }
0x99: {  	s4 =	simm.s32 $_scs_section_size  }
0x9a: {  	s5 =	simm.s32 $_size__tile_overlayer_lowered;
	s6 =	simm.s32 $_tile_overlayer_lowered  }
0x9b: {  	s22 =	simm.s32 $0x1BFF;
	s21 =	sshll.u32 s6, $0x1;
	s3 =	sadd.s32 s4, s19  }
0x9c: {  	s7 =	simm.s32 $0x0;
	s20 =	sshll.u32 s5, $0x1;
	s5 =	sadd.s32 s21, s3  }
0x9d: {  	[timem:s7], [sflag:s22] =	dma.local [hbm:s5], s20  }
0x9e: {  	_ =	swait.ge [sflag:s22], s20  }
0x9f: {  	s4 =	ssub.s32 $0x0, s20;
	[sflag:s22] =	ssyncset.done $0x0  }
0xa0: {  	[sflag:s22] =	ssyncadd.s32 s4;
	_ =	sdelay $0x1  }
0xa1: {  	s23 =	simm.s32 $0x1B8B  }
0xa2: {  	_ =	swait.ge [sflag:s23], $0x1  }
0xa3: {  	[sflag:s23] =	ssyncset.done $0x0  }
0xa4: {  	s25 =	simm.s32 $0x1B8E;
	s24 =	sld [smem:$0x3FFE];
	[sflag:s23] =	ssyncadd.s32 $0xFFFFFFFF  }
0xa5: {  	s26 =	simm.s32 $execute0_lowered;
	[smem:$0x3FD2] =	sst s25  }
0xa6: {  	s5 =	sshll.u32 s26, $0x1;
	_ =	strace $0x80000046;
	[dreg:$0x1] =	wrdreg $0xFFFFFFFF  }
0xa7: {  	s28 =	simm.s32 $_size_execute0_lowered;
	s3 =	sadd.s32 s3, s5;
	[dreg:$0x0] =	wrdreg $0x0  }
0xa8: {  	s5 =	sshll.u32 s28, $0x1;
	[dreg:$0x2] =	wrdreg s3  }
0xa9: {  	[dreg:$0x3] =	wrdreg s5  }
0xaa: {  	[dreg:$0x4] =	wrdreg $0xC0  }
0xab: {  	_ =	task [dreg:s7], $0x5FFFF  }
0xac: {  	[dreg:$0x1] =	wrdreg $0xFFFFFFFF  }
0xad: {  	[dreg:$0x0] =	wrdreg $0x60  }
0xae: {  	[dreg:$0x2] =	wrdreg s24  }
0xaf: {  	[dreg:$0x3] =	wrdreg s2  }
0xb0: {  	[dreg:$0x4] =	wrdreg $0x198000  }
0xb1: {  	[dreg:$0x5] =	wrdreg $0x9  }
0xb2: {  	_ =	task.clear_ibuf [dreg:s7], $0x6FFFF;
	_ =	strace $0x90000046  }
0xb3: {  	s29 =	simm.s32 $0x9;
	_ =	strace $0x80000048  }
0xb4: {  	_ =	swait.ge [sflag:s29], $0x1  }
0xb5: {  	[sflag:s29] =	ssyncadd.s32 $0xFFFFFFFF  }
0xb6: {  	_ =	strace $0x90000048  }
0xb7: {  	_ =	sfence  }
0xb8: {  	s30 =	sld [smem:$0x0];
	_ =	sdelay $0x2  }
0xb9: {  	s31 =	sshll.u32 s1, $0xD;
	s1 =	sshrl.u32 s1, $0x2  }
0xba: {  	s3 =	sand.u32 $0x4000, s31;
	s1 =	sadd.s32 s1, s30  }
0xbb: {  	s0 =	sor.u32 s3, s0;
	s1 =	sshll.u32 s1, $0x11  }
0xbc: {  	s0 =	sor.u32 s1, s0  }
0xbd: {  	s0 =	sadd.s32 $0x8F2B, s0  }
0xbe: {  	[sflag:s0] =	ssyncadd.remote.s32 $0x1  }
0xbf: {  	_ =	sfence.sel $0xFFFF  }
0xc0: {  	[dreg:$0x0] =	wrdreg $0xFFFFFFFF;
	(pc) =	sbr.abs _section_cstart, $3  }
0xc1: {  	[dreg:$0x1] =	wrdreg $0xFFFFFFFF  }
0xc2: {  	_ =	task.clear_ibuf [dreg:s7], $0x2FFFF;
	_ =	strace $0x9FFFFFFF  }
0xc3: {  	(tm) =	ssettm $0x7FFFFFFF  }
tec
execute0_lowered:
.L_overlay_start_1:
0x0: {  	(tag) =	ssettag $0x1  }
0x1: {  	s0 =	rddreg [dreg:$0x0]  }
0x2: {  	s2 =	rddreg [dreg:$0x1]  }
0x3: {  	s3 =	rddreg [dreg:$0x2]  }
0x4: {  	s1 =	stileid.u32;
	s5 =	srdreg.scid;
	s4 =	simm.s32 $0x0  }
0x5: {  	s16 =	simm.s32 $0xC400;
	s17 =	simm.s32 $0x5;
	s20 =	simm.s32 $0x100  }
0x6: {  	s21 =	simm.s32 $0x18800;
	s22 =	simm.s32 $0x19000;
	s23 =	simm.s32 $0x1  }
0x7: {  	s24 =	simm.s32 $0x2;
	s25 =	simm.s32 $0x3;
	s26 =	simm.s32 $0x4  }
0x8: {  	s28 =	simm.s32 $0x18600;
	s29 =	simm.s32 $0x18700;
	s7 =	smul.u32 $0x6400, s1  }
0x9: {  	s30 =	simm.s32 $0x0;
	s5 =	sand.u32 $0x1, s5;
	s8 =	smul.u32 $0x1880, s1  }
0xa: {  	[smem:$0x7FF] =	sst s4;
	s31 =	sshll.u32 s1, $0x6;
	s6 =	smul.u32 $0x190000, s5  }
0xb: {  	_ =	strace $0x80000047;
	s9 =	smul.u32 $0x32000, s5;
	s5 =	ssub.s32 $0x2, s5  }
0xc: {  	s18 =	sor.u32 $0x1C05, s31;
	s8 =	sadd.s32 s8, s0;
	s10 =	sshrl.u32 s5, $0x1  }
0xd: {  	s19 =	sadd.s32 s7, s3;
	s6 =	sadd.s32 s7, s6;
	s13 =	sadd.s32 s9, s0  }
0xe: {  	s15 =	ssub.s32 s5, s10;
	s5 =	sadd.s32 $0xE4600, s8;
	s19 =	sshrl.u32 s19, $0x3  }
0xf: {  	s6 =	sshrl.u32 s6, $0x3;
	s7 =	sadd.s32 $0x80600, s13;
	s10 =	sadd.s32 $0x80610, s13  }
0x10: {  	s11 =	sadd.s32 $0x80620, s13;
	s13 =	sadd.s32 $0x80630, s13;
	s0 =	sadd.s32 s6, s0  }
0x11: {  	s6 =	sadd.s32 $0x67E00, s8;
	s8 =	sadd.s32 $0xFCE00, s0;
	s9 =	sadd.s32 $0x109600, s0  }
0x12: {  	s15 =	smax.u32 s15, $0x1;
	s12 =	sadd.s32 $0x115E00, s0;
	s14 =	sadd.s32 $0x122600, s0  }
.LBB2_1:
0x13: {  	[tilespmem:s16], [sflag:$0x5] =	stream.linear.gather [hbm4b:s5+s4], $0xC400, $0x38;
	[tilespmem:$0x1FC00] =	vst v63  }
0x14: {  	_ =	swait.ge [sflag:s17], $0xC400  }
0x15: {  	[sflag:s17] =	ssyncset.done $0x0  }
0x16: {  	[sflag:s17] =	ssyncadd.s32 $0xFFFF3C00  }
0x17: {  	[tilespmem:s4], [sflag:$0x5] =	stream.linear.gather [hbm4b:s6+s4], $0xC400, $0x38;
	[tilespmem:$0x1FC00] =	vst v63  }
0x18: {  	_ =	swait.ge [sflag:s17], $0xC400  }
0x19: {  	[sflag:s17] =	ssyncset.done $0x0  }
0x1a: {  	[sflag:s17] =	ssyncadd.s32 $0xFFFF3C00  }
0x1b: {  	[spmem:s19], [sflag:s18] =	dma.local [hbm:s2], $0xC80  }
0x1c: {  	_ =	swait.ge [sflag:s17], $0xC80  }
0x1d: {  	[sflag:s17] =	ssyncset.done $0x0  }
0x1e: {  	[sflag:s17] =	ssyncadd.s32 $0xFFFFF380  }
0x1f: {  	[bflag:$0x0] =	sbarrier.arrive $0xFFFF  }
0x20: {  	[tilespmem:s21], [sflag:$0x1] =	stream.indirect.gather [hbm4b:s7+s20], $0x8, s4, s20, $0xb8;
	[tilespmem:$0x1FC00] =	vst v63  }
0x21: {  	_ = 	snop  }
0x22: {  	[tilespmem:s22], [sflag:$0x2] =	stream.indirect.gather [hbm4b:s7+s20], $0x8, s20, s20, $0xb8;
	[tilespmem:$0x1FC00] =	vst v63  }
0x23: {  	_ =	swait.ge [sflag:s23], $0x800  }
0x24: {  	[sflag:s23] =	ssyncset.done $0x0  }
0x25: {  	s0 =	simm.s32 $0xC400;
	[sflag:s23] =	ssyncadd.s32 $0xFFFFF800  }
0x26: {  	[spmem:s3] =	stream.indirect.scatter.add.f32 [tilespmem:s21], [sflag:$0x3], $0x8, s0, s20, $0xb8;
	[tilespmem:$0x1FC00] =	vst v63  }
0x27: {  	_ =	swait.ge [sflag:s24], $0x800  }
0x28: {  	[sflag:s24] =	ssyncset.done $0x0  }
0x29: {  	s1 =	simm.s32 $0xC500;
	[sflag:s24] =	ssyncadd.s32 $0xFFFFF800  }
0x2a: {  	[spmem:s3] =	stream.indirect.scatter.add.f32 [tilespmem:s22], [sflag:$0x4], $0x8, s1, s20, $0xb8;
	[tilespmem:$0x1FC00] =	vst v63  }
0x2b: {  	_ =	swait.ge [sflag:s25], $0x800  }
0x2c: {  	[sflag:s25] =	ssyncset.done $0x0  }
0x2d: {  	s1 =	simm.s32 $0x200;
	[sflag:s25] =	ssyncadd.s32 $0xFFFFF800  }
0x2e: {  	[tilespmem:s21], [sflag:$0x1] =	stream.indirect.gather [hbm4b:s7+s20], $0x8, s1, s20, $0xb8;
	[tilespmem:$0x1FC00] =	vst v63  }
0x2f: {  	_ =	swait.ge [sflag:s26], $0x800  }
0x30: {  	[sflag:s26] =	ssyncset.done $0x0  }
0x31: {  	s31 =	simm.s32 $0x800;
	s0 =	simm.s32 $0x300;
	[sflag:s26] =	ssyncadd.s32 $0xFFFFF800  }
.LBB2_2:
0x32: {  	[tilespmem:s22], [sflag:$0x2] =	stream.indirect.gather [hbm4b:s7+s20], $0x8, s0, s20, $0xb8;
	[tilespmem:$0x1FC00] =	vst v63  }
0x33: {  	s0 =	smov.u32 s31  }
0x34: {  	p0 =	sne.s32 s31, $0x30000;
	s31 =	sadd.s32 $0x800, s31;
	_ =	swait.ge [sflag:s23], $0x800  }
0x35: {  	s0 =	sshra.s32 s0, $0x2;
	[sflag:s23] =	ssyncset.done $0x0  }
0x36: {  	s1 =	sadd.s32 $0xC400, s0;
	[sflag:s23] =	ssyncadd.s32 $0xFFFFF800  }
0x37: {  	[spmem:s3] =	stream.indirect.scatter.add.f32 [tilespmem:s21], [sflag:$0x3], $0x8, s1, s20, $0xb8;
	[tilespmem:$0x1FC00] =	vst v63  }
0x38: {  	_ =	swait.ge [sflag:s24], $0x800  }
0x39: {  	[sflag:s24] =	ssyncset.done $0x0  }
0x3a: {  	s1 =	sadd.s32 $0xC500, s0;
	[sflag:s24] =	ssyncadd.s32 $0xFFFFF800  }
0x3b: {  	[spmem:s3] =	stream.indirect.scatter.add.f32 [tilespmem:s22], [sflag:$0x4], $0x8, s1, s20, $0xb8;
	[tilespmem:$0x1FC00] =	vst v63  }
0x3c: {  	_ =	swait.ge [sflag:s25], $0x800  }
0x3d: {  	[sflag:s25] =	ssyncset.done $0x0  }
.Ltmp0:
0x3e: {  	s1 =	sadd.s32 $0x200, s0;
	[sflag:s25] =	ssyncadd.s32 $0xFFFFF800;
	(pc) =	sbr.rel @p0 .LBB2_2-.Ltmp0, $4  }
0x3f: {  	[tilespmem:s21], [sflag:$0x1] =	stream.indirect.gather [hbm4b:s7+s20], $0x8, s1, s20, $0xb8;
	[tilespmem:$0x1FC00] =	vst v63  }
0x40: {  	_ =	swait.ge [sflag:s26], $0x800  }
0x41: {  	[sflag:s26] =	ssyncset.done $0x0  }
0x42: {  	s0 =	sadd.s32 $0x300, s0;
	[sflag:s26] =	ssyncadd.s32 $0xFFFFF800  }
0x43: {  	[tilespmem:s22], [sflag:$0x2] =	stream.indirect.gather [hbm4b:s7+s20], $0x8, s0, s20, $0xb8;
	[tilespmem:$0x1FC00] =	vst v63  }
0x44: {  	_ =	swait.ge [sflag:s23], $0x800  }
0x45: {  	[sflag:s23] =	ssyncset.done $0x0  }
0x46: {  	[sflag:s23] =	ssyncadd.s32 $0xFFFFF800  }
0x47: {  	[spmem:s3] =	stream.indirect.scatter.add.f32 [tilespmem:s21], [sflag:$0x3], $0x8, s28, s20, $0xb8;
	[tilespmem:$0x1FC00] =	vst v63  }
0x48: {  	_ =	swait.ge [sflag:s24], $0x800  }
0x49: {  	[sflag:s24] =	ssyncset.done $0x0  }
0x4a: {  	[sflag:s24] =	ssyncadd.s32 $0xFFFFF800  }
0x4b: {  	[spmem:s3] =	stream.indirect.scatter.add.f32 [tilespmem:s22], [sflag:$0x4], $0x8, s29, s20, $0xb8;
	[tilespmem:$0x1FC00] =	vst v63  }
0x4c: {  	_ =	swait.ge [sflag:s25], $0x800  }
0x4d: {  	[sflag:s25] =	ssyncset.done $0x0  }
0x4e: {  	[sflag:s25] =	ssyncadd.s32 $0xFFFFF800  }
0x4f: {  	_ =	swait.ge [sflag:s26], $0x800  }
0x50: {  	[sflag:s26] =	ssyncset.done $0x0  }
0x51: {  	[sflag:s26] =	ssyncadd.s32 $0xFFFFF800  }
0x52: {  	[bflag:$0x0] =	sbarrier.arrive $0xFFFF  }
0x53: {  	[hbm:s8], [sflag:s18] =	dma.local [spmem:s19], $0xC80  }
0x54: {  	_ =	swait.ge [sflag:s17], $0xC80  }
0x55: {  	[sflag:s17] =	ssyncset.done $0x0  }
0x56: {  	[sflag:s17] =	ssyncadd.s32 $0xFFFFF380  }
0x57: {  	[spmem:s19], [sflag:s18] =	dma.local [hbm:s2], $0xC80  }
0x58: {  	_ =	swait.ge [sflag:s17], $0xC80  }
0x59: {  	[sflag:s17] =	ssyncset.done $0x0  }
0x5a: {  	[sflag:s17] =	ssyncadd.s32 $0xFFFFF380  }
0x5b: {  	s1 =	simm.s32 $0x0;
	[bflag:$0x0] =	sbarrier.arrive $0xFFFF  }
0x5c: {  	[tilespmem:s21], [sflag:$0x1] =	stream.indirect.gather [hbm4b:s10+s20], $0x8, s1, s20, $0xb8;
	[tilespmem:$0x1FC00] =	vst v63  }
0x5d: {  	_ = 	snop  }
0x5e: {  	[tilespmem:s22], [sflag:$0x2] =	stream.indirect.gather [hbm4b:s10+s20], $0x8, s20, s20, $0xb8;
	[tilespmem:$0x1FC00] =	vst v63  }
0x5f: {  	_ =	swait.ge [sflag:s23], $0x800  }
0x60: {  	[sflag:s23] =	ssyncset.done $0x0  }
0x61: {  	s1 =	simm.s32 $0xC400;
	[sflag:s23] =	ssyncadd.s32 $0xFFFFF800  }
0x62: {  	[spmem:s3] =	stream.indirect.scatter.add.f32 [tilespmem:s21], [sflag:$0x3], $0x8, s1, s20, $0xb8;
	[tilespmem:$0x1FC00] =	vst v63  }
0x63: {  	_ =	swait.ge [sflag:s24], $0x800  }
0x64: {  	[sflag:s24] =	ssyncset.done $0x0  }
0x65: {  	s1 =	simm.s32 $0xC500;
	[sflag:s24] =	ssyncadd.s32 $0xFFFFF800  }
0x66: {  	[spmem:s3] =	stream.indirect.scatter.add.f32 [tilespmem:s22], [sflag:$0x4], $0x8, s1, s20, $0xb8;
	[tilespmem:$0x1FC00] =	vst v63  }
0x67: {  	_ =	swait.ge [sflag:s25], $0x800  }
0x68: {  	[sflag:s25] =	ssyncset.done $0x0  }
0x69: {  	s1 =	simm.s32 $0x200;
	[sflag:s25] =	ssyncadd.s32 $0xFFFFF800  }
0x6a: {  	[tilespmem:s21], [sflag:$0x1] =	stream.indirect.gather [hbm4b:s10+s20], $0x8, s1, s20, $0xb8;
	[tilespmem:$0x1FC00] =	vst v63  }
0x6b: {  	_ =	swait.ge [sflag:s26], $0x800  }
0x6c: {  	[sflag:s26] =	ssyncset.done $0x0  }
0x6d: {  	s31 =	simm.s32 $0x800;
	s0 =	simm.s32 $0x300;
	[sflag:s26] =	ssyncadd.s32 $0xFFFFF800  }
.LBB2_4:
0x6e: {  	[tilespmem:s22], [sflag:$0x2] =	stream.indirect.gather [hbm4b:s10+s20], $0x8, s0, s20, $0xb8;
	[tilespmem:$0x1FC00] =	vst v63  }
0x6f: {  	s0 =	smov.u32 s31  }
0x70: {  	p0 =	sne.s32 s31, $0x30000;
	s31 =	sadd.s32 $0x800, s31;
	_ =	swait.ge [sflag:s23], $0x800  }
0x71: {  	s0 =	sshra.s32 s0, $0x2;
	[sflag:s23] =	ssyncset.done $0x0  }
0x72: {  	s1 =	sadd.s32 $0xC400, s0;
	[sflag:s23] =	ssyncadd.s32 $0xFFFFF800  }
0x73: {  	[spmem:s3] =	stream.indirect.scatter.add.f32 [tilespmem:s21], [sflag:$0x3], $0x8, s1, s20, $0xb8;
	[tilespmem:$0x1FC00] =	vst v63  }
0x74: {  	_ =	swait.ge [sflag:s24], $0x800  }
0x75: {  	[sflag:s24] =	ssyncset.done $0x0  }
0x76: {  	s1 =	sadd.s32 $0xC500, s0;
	[sflag:s24] =	ssyncadd.s32 $0xFFFFF800  }
0x77: {  	[spmem:s3] =	stream.indirect.scatter.add.f32 [tilespmem:s22], [sflag:$0x4], $0x8, s1, s20, $0xb8;
	[tilespmem:$0x1FC00] =	vst v63  }
0x78: {  	_ =	swait.ge [sflag:s25], $0x800  }
0x79: {  	[sflag:s25] =	ssyncset.done $0x0  }
.Ltmp1:
0x7a: {  	s1 =	sadd.s32 $0x200, s0;
	[sflag:s25] =	ssyncadd.s32 $0xFFFFF800;
	(pc) =	sbr.rel @p0 .LBB2_4-.Ltmp1, $4  }
0x7b: {  	[tilespmem:s21], [sflag:$0x1] =	stream.indirect.gather [hbm4b:s10+s20], $0x8, s1, s20, $0xb8;
	[tilespmem:$0x1FC00] =	vst v63  }
0x7c: {  	_ =	swait.ge [sflag:s26], $0x800  }
0x7d: {  	[sflag:s26] =	ssyncset.done $0x0  }
0x7e: {  	s0 =	sadd.s32 $0x300, s0;
	[sflag:s26] =	ssyncadd.s32 $0xFFFFF800  }
0x7f: {  	[tilespmem:s22], [sflag:$0x2] =	stream.indirect.gather [hbm4b:s10+s20], $0x8, s0, s20, $0xb8;
	[tilespmem:$0x1FC00] =	vst v63  }
0x80: {  	_ =	swait.ge [sflag:s23], $0x800  }
0x81: {  	[sflag:s23] =	ssyncset.done $0x0  }
0x82: {  	[sflag:s23] =	ssyncadd.s32 $0xFFFFF800  }
0x83: {  	[spmem:s3] =	stream.indirect.scatter.add.f32 [tilespmem:s21], [sflag:$0x3], $0x8, s28, s20, $0xb8;
	[tilespmem:$0x1FC00] =	vst v63  }
0x84: {  	_ =	swait.ge [sflag:s24], $0x800  }
0x85: {  	[sflag:s24] =	ssyncset.done $0x0  }
0x86: {  	[sflag:s24] =	ssyncadd.s32 $0xFFFFF800  }
0x87: {  	[spmem:s3] =	stream.indirect.scatter.add.f32 [tilespmem:s22], [sflag:$0x4], $0x8, s29, s20, $0xb8;
	[tilespmem:$0x1FC00] =	vst v63  }
0x88: {  	_ =	swait.ge [sflag:s25], $0x800  }
0x89: {  	[sflag:s25] =	ssyncset.done $0x0  }
0x8a: {  	[sflag:s25] =	ssyncadd.s32 $0xFFFFF800  }
0x8b: {  	_ =	swait.ge [sflag:s26], $0x800  }
0x8c: {  	[sflag:s26] =	ssyncset.done $0x0  }
0x8d: {  	[sflag:s26] =	ssyncadd.s32 $0xFFFFF800  }
0x8e: {  	[bflag:$0x0] =	sbarrier.arrive $0xFFFF  }
0x8f: {  	[hbm:s9], [sflag:s18] =	dma.local [spmem:s19], $0xC80  }
0x90: {  	_ =	swait.ge [sflag:s17], $0xC80  }
0x91: {  	[sflag:s17] =	ssyncset.done $0x0  }
0x92: {  	[sflag:s17] =	ssyncadd.s32 $0xFFFFF380  }
0x93: {  	[spmem:s19], [sflag:s18] =	dma.local [hbm:s2], $0xC80  }
0x94: {  	_ =	swait.ge [sflag:s17], $0xC80  }
0x95: {  	[sflag:s17] =	ssyncset.done $0x0  }
0x96: {  	[sflag:s17] =	ssyncadd.s32 $0xFFFFF380  }
0x97: {  	s1 =	simm.s32 $0x0;
	[bflag:$0x0] =	sbarrier.arrive $0xFFFF  }
0x98: {  	[tilespmem:s21], [sflag:$0x1] =	stream.indirect.gather [hbm4b:s11+s20], $0x8, s1, s20, $0xb8;
	[tilespmem:$0x1FC00] =	vst v63  }
0x99: {  	_ = 	snop  }
0x9a: {  	[tilespmem:s22], [sflag:$0x2] =	stream.indirect.gather [hbm4b:s11+s20], $0x8, s20, s20, $0xb8;
	[tilespmem:$0x1FC00] =	vst v63  }
0x9b: {  	_ =	swait.ge [sflag:s23], $0x800  }
0x9c: {  	[sflag:s23] =	ssyncset.done $0x0  }
0x9d: {  	s1 =	simm.s32 $0xC400;
	[sflag:s23] =	ssyncadd.s32 $0xFFFFF800  }
0x9e: {  	[spmem:s3] =	stream.indirect.scatter.add.f32 [tilespmem:s21], [sflag:$0x3], $0x8, s1, s20, $0xb8;
	[tilespmem:$0x1FC00] =	vst v63  }
0x9f: {  	_ =	swait.ge [sflag:s24], $0x800  }
0xa0: {  	[sflag:s24] =	ssyncset.done $0x0  }
0xa1: {  	s1 =	simm.s32 $0xC500;
	[sflag:s24] =	ssyncadd.s32 $0xFFFFF800  }
0xa2: {  	[spmem:s3] =	stream.indirect.scatter.add.f32 [tilespmem:s22], [sflag:$0x4], $0x8, s1, s20, $0xb8;
	[tilespmem:$0x1FC00] =	vst v63  }
0xa3: {  	_ =	swait.ge [sflag:s25], $0x800  }
0xa4: {  	[sflag:s25] =	ssyncset.done $0x0  }
0xa5: {  	s1 =	simm.s32 $0x200;
	[sflag:s25] =	ssyncadd.s32 $0xFFFFF800  }
0xa6: {  	[tilespmem:s21], [sflag:$0x1] =	stream.indirect.gather [hbm4b:s11+s20], $0x8, s1, s20, $0xb8;
	[tilespmem:$0x1FC00] =	vst v63  }
0xa7: {  	_ =	swait.ge [sflag:s26], $0x800  }
0xa8: {  	[sflag:s26] =	ssyncset.done $0x0  }
0xa9: {  	s31 =	simm.s32 $0x800;
	s0 =	simm.s32 $0x300;
	[sflag:s26] =	ssyncadd.s32 $0xFFFFF800  }
.LBB2_6:
0xaa: {  	[tilespmem:s22], [sflag:$0x2] =	stream.indirect.gather [hbm4b:s11+s20], $0x8, s0, s20, $0xb8;
	[tilespmem:$0x1FC00] =	vst v63  }
0xab: {  	s0 =	smov.u32 s31  }
0xac: {  	p0 =	sne.s32 s31, $0x30000;
	s31 =	sadd.s32 $0x800, s31;
	_ =	swait.ge [sflag:s23], $0x800  }
0xad: {  	s0 =	sshra.s32 s0, $0x2;
	[sflag:s23] =	ssyncset.done $0x0  }
0xae: {  	s1 =	sadd.s32 $0xC400, s0;
	[sflag:s23] =	ssyncadd.s32 $0xFFFFF800  }
0xaf: {  	[spmem:s3] =	stream.indirect.scatter.add.f32 [tilespmem:s21], [sflag:$0x3], $0x8, s1, s20, $0xb8;
	[tilespmem:$0x1FC00] =	vst v63  }
0xb0: {  	_ =	swait.ge [sflag:s24], $0x800  }
0xb1: {  	[sflag:s24] =	ssyncset.done $0x0  }
0xb2: {  	s1 =	sadd.s32 $0xC500, s0;
	[sflag:s24] =	ssyncadd.s32 $0xFFFFF800  }
0xb3: {  	[spmem:s3] =	stream.indirect.scatter.add.f32 [tilespmem:s22], [sflag:$0x4], $0x8, s1, s20, $0xb8;
	[tilespmem:$0x1FC00] =	vst v63  }
0xb4: {  	_ =	swait.ge [sflag:s25], $0x800  }
0xb5: {  	[sflag:s25] =	ssyncset.done $0x0  }
.Ltmp2:
0xb6: {  	s1 =	sadd.s32 $0x200, s0;
	[sflag:s25] =	ssyncadd.s32 $0xFFFFF800;
	(pc) =	sbr.rel @p0 .LBB2_6-.Ltmp2, $4  }
0xb7: {  	[tilespmem:s21], [sflag:$0x1] =	stream.indirect.gather [hbm4b:s11+s20], $0x8, s1, s20, $0xb8;
	[tilespmem:$0x1FC00] =	vst v63  }
0xb8: {  	_ =	swait.ge [sflag:s26], $0x800  }
0xb9: {  	[sflag:s26] =	ssyncset.done $0x0  }
0xba: {  	s0 =	sadd.s32 $0x300, s0;
	[sflag:s26] =	ssyncadd.s32 $0xFFFFF800  }
0xbb: {  	[tilespmem:s22], [sflag:$0x2] =	stream.indirect.gather [hbm4b:s11+s20], $0x8, s0, s20, $0xb8;
	[tilespmem:$0x1FC00] =	vst v63  }
0xbc: {  	_ =	swait.ge [sflag:s23], $0x800  }
0xbd: {  	[sflag:s23] =	ssyncset.done $0x0  }
0xbe: {  	[sflag:s23] =	ssyncadd.s32 $0xFFFFF800  }
0xbf: {  	[spmem:s3] =	stream.indirect.scatter.add.f32 [tilespmem:s21], [sflag:$0x3], $0x8, s28, s20, $0xb8;
	[tilespmem:$0x1FC00] =	vst v63  }
0xc0: {  	_ =	swait.ge [sflag:s24], $0x800  }
0xc1: {  	[sflag:s24] =	ssyncset.done $0x0  }
0xc2: {  	[sflag:s24] =	ssyncadd.s32 $0xFFFFF800  }
0xc3: {  	[spmem:s3] =	stream.indirect.scatter.add.f32 [tilespmem:s22], [sflag:$0x4], $0x8, s29, s20, $0xb8;
	[tilespmem:$0x1FC00] =	vst v63  }
0xc4: {  	_ =	swait.ge [sflag:s25], $0x800  }
0xc5: {  	[sflag:s25] =	ssyncset.done $0x0  }
0xc6: {  	[sflag:s25] =	ssyncadd.s32 $0xFFFFF800  }
0xc7: {  	_ =	swait.ge [sflag:s26], $0x800  }
0xc8: {  	[sflag:s26] =	ssyncset.done $0x0  }
0xc9: {  	[sflag:s26] =	ssyncadd.s32 $0xFFFFF800  }
0xca: {  	[bflag:$0x0] =	sbarrier.arrive $0xFFFF  }
0xcb: {  	[hbm:s12], [sflag:s18] =	dma.local [spmem:s19], $0xC80  }
0xcc: {  	_ =	swait.ge [sflag:s17], $0xC80  }
0xcd: {  	[sflag:s17] =	ssyncset.done $0x0  }
0xce: {  	[sflag:s17] =	ssyncadd.s32 $0xFFFFF380  }
0xcf: {  	[spmem:s19], [sflag:s18] =	dma.local [hbm:s2], $0xC80  }
0xd0: {  	_ =	swait.ge [sflag:s17], $0xC80  }
0xd1: {  	[sflag:s17] =	ssyncset.done $0x0  }
0xd2: {  	[sflag:s17] =	ssyncadd.s32 $0xFFFFF380  }
0xd3: {  	s1 =	simm.s32 $0x0;
	[bflag:$0x0] =	sbarrier.arrive $0xFFFF  }
0xd4: {  	[tilespmem:s21], [sflag:$0x1] =	stream.indirect.gather [hbm4b:s13+s20], $0x8, s1, s20, $0xb8;
	[tilespmem:$0x1FC00] =	vst v63  }
0xd5: {  	_ = 	snop  }
0xd6: {  	[tilespmem:s22], [sflag:$0x2] =	stream.indirect.gather [hbm4b:s13+s20], $0x8, s20, s20, $0xb8;
	[tilespmem:$0x1FC00] =	vst v63  }
0xd7: {  	_ =	swait.ge [sflag:s23], $0x800  }
0xd8: {  	[sflag:s23] =	ssyncset.done $0x0  }
0xd9: {  	s1 =	simm.s32 $0xC400;
	[sflag:s23] =	ssyncadd.s32 $0xFFFFF800  }
0xda: {  	[spmem:s3] =	stream.indirect.scatter.add.f32 [tilespmem:s21], [sflag:$0x3], $0x8, s1, s20, $0xb8;
	[tilespmem:$0x1FC00] =	vst v63  }
0xdb: {  	_ =	swait.ge [sflag:s24], $0x800  }
0xdc: {  	[sflag:s24] =	ssyncset.done $0x0  }
0xdd: {  	s1 =	simm.s32 $0xC500;
	[sflag:s24] =	ssyncadd.s32 $0xFFFFF800  }
0xde: {  	[spmem:s3] =	stream.indirect.scatter.add.f32 [tilespmem:s22], [sflag:$0x4], $0x8, s1, s20, $0xb8;
	[tilespmem:$0x1FC00] =	vst v63  }
0xdf: {  	_ =	swait.ge [sflag:s25], $0x800  }
0xe0: {  	[sflag:s25] =	ssyncset.done $0x0  }
0xe1: {  	s1 =	simm.s32 $0x200;
	[sflag:s25] =	ssyncadd.s32 $0xFFFFF800  }
0xe2: {  	[tilespmem:s21], [sflag:$0x1] =	stream.indirect.gather [hbm4b:s13+s20], $0x8, s1, s20, $0xb8;
	[tilespmem:$0x1FC00] =	vst v63  }
0xe3: {  	_ =	swait.ge [sflag:s26], $0x800  }
0xe4: {  	[sflag:s26] =	ssyncset.done $0x0  }
0xe5: {  	s31 =	simm.s32 $0x800;
	s0 =	simm.s32 $0x300;
	[sflag:s26] =	ssyncadd.s32 $0xFFFFF800  }
.LBB2_8:
0xe6: {  	[tilespmem:s22], [sflag:$0x2] =	stream.indirect.gather [hbm4b:s13+s20], $0x8, s0, s20, $0xb8;
	[tilespmem:$0x1FC00] =	vst v63  }
0xe7: {  	s0 =	smov.u32 s31  }
0xe8: {  	p0 =	sne.s32 s31, $0x30000;
	s31 =	sadd.s32 $0x800, s31;
	_ =	swait.ge [sflag:s23], $0x800  }
0xe9: {  	s0 =	sshra.s32 s0, $0x2;
	[sflag:s23] =	ssyncset.done $0x0  }
0xea: {  	s1 =	sadd.s32 $0xC400, s0;
	[sflag:s23] =	ssyncadd.s32 $0xFFFFF800  }
0xeb: {  	[spmem:s3] =	stream.indirect.scatter.add.f32 [tilespmem:s21], [sflag:$0x3], $0x8, s1, s20, $0xb8;
	[tilespmem:$0x1FC00] =	vst v63  }
0xec: {  	_ =	swait.ge [sflag:s24], $0x800  }
0xed: {  	[sflag:s24] =	ssyncset.done $0x0  }
0xee: {  	s1 =	sadd.s32 $0xC500, s0;
	[sflag:s24] =	ssyncadd.s32 $0xFFFFF800  }
0xef: {  	[spmem:s3] =	stream.indirect.scatter.add.f32 [tilespmem:s22], [sflag:$0x4], $0x8, s1, s20, $0xb8;
	[tilespmem:$0x1FC00] =	vst v63  }
0xf0: {  	_ =	swait.ge [sflag:s25], $0x800  }
0xf1: {  	[sflag:s25] =	ssyncset.done $0x0  }
.Ltmp3:
0xf2: {  	s1 =	sadd.s32 $0x200, s0;
	[sflag:s25] =	ssyncadd.s32 $0xFFFFF800;
	(pc) =	sbr.rel @p0 .LBB2_8-.Ltmp3, $4  }
0xf3: {  	[tilespmem:s21], [sflag:$0x1] =	stream.indirect.gather [hbm4b:s13+s20], $0x8, s1, s20, $0xb8;
	[tilespmem:$0x1FC00] =	vst v63  }
0xf4: {  	_ =	swait.ge [sflag:s26], $0x800  }
0xf5: {  	[sflag:s26] =	ssyncset.done $0x0  }
0xf6: {  	s0 =	sadd.s32 $0x300, s0;
	[sflag:s26] =	ssyncadd.s32 $0xFFFFF800  }
0xf7: {  	[tilespmem:s22], [sflag:$0x2] =	stream.indirect.gather [hbm4b:s13+s20], $0x8, s0, s20, $0xb8;
	[tilespmem:$0x1FC00] =	vst v63  }
0xf8: {  	_ =	swait.ge [sflag:s23], $0x800  }
0xf9: {  	[sflag:s23] =	ssyncset.done $0x0  }
0xfa: {  	[sflag:s23] =	ssyncadd.s32 $0xFFFFF800  }
0xfb: {  	[spmem:s3] =	stream.indirect.scatter.add.f32 [tilespmem:s21], [sflag:$0x3], $0x8, s28, s20, $0xb8;
	[tilespmem:$0x1FC00] =	vst v63  }
0xfc: {  	_ =	swait.ge [sflag:s24], $0x800  }
0xfd: {  	[sflag:s24] =	ssyncset.done $0x0  }
0xfe: {  	[sflag:s24] =	ssyncadd.s32 $0xFFFFF800  }
0xff: {  	[spmem:s3] =	stream.indirect.scatter.add.f32 [tilespmem:s22], [sflag:$0x4], $0x8, s29, s20, $0xb8;
	[tilespmem:$0x1FC00] =	vst v63  }
0x100: {  	_ =	swait.ge [sflag:s25], $0x800  }
0x101: {  	[sflag:s25] =	ssyncset.done $0x0  }
0x102: {  	[sflag:s25] =	ssyncadd.s32 $0xFFFFF800  }
0x103: {  	_ =	swait.ge [sflag:s26], $0x800  }
0x104: {  	s30 =	sadd.s32 $0x1, s30;
	[sflag:s26] =	ssyncset.done $0x0  }
0x105: {  	p0 =	sne.s32 s30, s15;
	[sflag:s26] =	ssyncadd.s32 $0xFFFFF800  }
.Ltmp4:
0x106: {  	[bflag:$0x0] =	sbarrier.arrive $0xFFFF;
	(pc) =	sbr.rel @p0 .LBB2_1-.Ltmp4, $4  }
0x107: {  	[hbm:s14], [sflag:s18] =	dma.local [spmem:s19], $0xC80  }
0x108: {  	_ =	swait.ge [sflag:s17], $0xC80  }
0x109: {  	[sflag:s17] =	ssyncset.done $0x0  }
0x10a: {  	[sflag:s17] =	ssyncadd.s32 $0xFFFFF380  }
0x10b: {  	_ =	sfence.sel $0x180000  }
0x10c: {  	[bflag:$0x0] =	sbarrier.arrive $0xFFFF  }
0x10d: {  	_ =	strace $0x90000047  }
0x10e: {  	s0 =	stileid.u32;
	[bflag:$0x2] =	sbarrier.arrive $0xFFFF  }
0x10f: {  	p0 =	sne.s32 s0, $0x0;
	s0 =	rddreg [dreg:$0x3]  }
0x110: {  	s0 =	sadd.s32 @!p0 $0x100000, s0  }
0x111: {  	[sflag:s0] =	ssyncadd.tile.s32 @!p0 $0x1;
	_ =	shalt  }
.Lfunc_end2:
_tile_overlayer_lowered:
.L_overlay_start_2:
0x112: {  	(tag) =	ssettag $0x2  }
0x113: {  	s0 =	rddreg [dreg:$0x0];
	s2 =	stileid.u32  }
0x114: {  	s1 =	rddreg [dreg:$0x1];
	p0 =	sne.s32 s2, $0x0  }
0x115: {  	s3 =	rddreg [dreg:$0x2];
	[bflag:$0x3] =	sbarrier.arrive $0xFFFF;
	s2 =	simm.s32 @!p0 $0x1C05  }
0x116: {  	[timem:s3], [sflag:s2] =	dma.local @!p0 [hbm:s0], s1  }
0x117: {  	s0 =	simm.s32 @!p0 $0x5  }
0x118: {  	_ =	swait.ge @!p0 [sflag:s0], s1  }
0x119: {  	s1 =	ssub.s32 @!p0 $0x0, s1;
	[sflag:s0] =	ssyncset.done @!p0 $0x0  }
0x11a: {  	[sflag:s0] =	ssyncadd.s32 @!p0 s1  }
0x11b: {  	[bflag:$0x3] =	sbarrier.arrive $0xFFFF  }
0x11c: {  	_ =	shalt  }

</sc_bundles>
